<compile_context>
chip_gen: v7x
topology: tpu7x:2x2x1
jax: 0.10.2.dev20260603
libtpu: 0.0.44.dev20260713+nightly
codegen_flags: <defaults>
</compile_context>

<pallas_src>
import functools
import jax
import jax.numpy as jnp
from jax import lax
from jax.experimental import pallas as pl
from jax.experimental.pallas import tpu as pltpu
from jax.experimental.pallas import tpu_sc as plsc

N = 2048
NW = 32
JPW = N // NW
NCH = N // 16


def _tc_pre(h_ref, p_ref, feat_ref):
    h0 = h_ref[0:1, :]
    h1 = h_ref[1:2, :]
    p = p_ref
    hh0 = h0 * p[0, 0] + h1 * p[0, 1]
    hh1 = h0 * p[0, 2] + h1 * p[0, 3]
    s = hh0 * p[0, 4] + hh1 * p[0, 5]
    d = hh0 * p[0, 6] + hh1 * p[0, 7]
    m1 = jnp.max(s)
    e1 = jnp.exp(s - m1)
    e02 = jnp.exp(0.2 * (s - m1))
    feat_ref[0:1, :] = s
    feat_ref[1:2, :] = -d
    feat_ref[2:3, :] = e02
    feat_ref[3:4, :] = e02 * hh0
    feat_ref[4:5, :] = e02 * hh1
    feat_ref[5:6, :] = e1
    feat_ref[6:7, :] = e1 * hh0
    feat_ref[7:8, :] = e1 * hh1


def _sc_edge(feat_hbm, out_hbm, s_v, t_v, v0_v, v1_v, v2_v, v3_v, v4_v, v5_v,
             r0_v, r1_v, r2_v, r3_v, r4_v, r5_v):
    cid = lax.axis_index("c")
    sid = lax.axis_index("s")
    wid = sid * 2 + cid
    base = wid * JPW
    rows = (s_v, t_v, v0_v, v1_v, v2_v, v3_v, v4_v, v5_v)
    for r, rv in enumerate(rows):
        pltpu.sync_copy(feat_hbm.at[pl.ds(r * N, N)], rv)

    lanes = lax.iota(jnp.int32, 16)

    def j_group(g, _):
        def j_body(jj, rvs):
            j = base + g * 16 + jj
            tj = plsc.load_gather(t_v, [jnp.full((16,), j, jnp.int32)])

            def chunk(c, accs):
                sl = pl.ds(c * 16, 16)
                m = s_v[sl] <= tj
                z = jnp.zeros((16,), jnp.float32)
                return (accs[0] + jnp.where(m, v0_v[sl], z),
                        accs[1] + jnp.where(m, v1_v[sl], z),
                        accs[2] + jnp.where(m, v2_v[sl], z),
                        accs[3] + jnp.where(m, v3_v[sl], z),
                        accs[4] + jnp.where(m, v4_v[sl], z),
                        accs[5] + jnp.where(m, v5_v[sl], z))

            z6 = tuple(jnp.zeros((16,), jnp.float32) for _ in range(6))
            accs = lax.fori_loop(0, NCH, chunk, z6)
            sel = lanes == jj
            return tuple(
                jnp.where(sel, jnp.sum(a, axis=0), rv)
                for a, rv in zip(accs, rvs))

        z6 = tuple(jnp.zeros((16,), jnp.float32) for _ in range(6))
        out16 = lax.fori_loop(0, 16, j_body, z6)
        res = (r0_v, r1_v, r2_v, r3_v, r4_v, r5_v)
        for rv, o in zip(res, out16):
            rv[pl.ds(g * 16, 16)] = o
        return 0

    lax.fori_loop(0, JPW // 16, j_group, 0)
    for r, rv in enumerate((r0_v, r1_v, r2_v, r3_v, r4_v, r5_v)):
        pltpu.sync_copy(rv, out_hbm.at[pl.ds(r * N + base, JPW)])


def _tc_post(feat_ref, w_ref, p_ref, out_ref):
    s = feat_ref[0:1, :]
    d = -feat_ref[1:2, :]
    m1 = jnp.max(s)
    T1 = jnp.sum(feat_ref[5:6, :])
    Tq0 = jnp.sum(feat_ref[6:7, :])
    Tq1 = jnp.sum(feat_ref[7:8, :])
    b2 = d + m1
    b1 = 0.2 * b2
    L = jnp.maximum(b1, b2)
    f1 = jnp.exp(b1 - L)
    f2 = jnp.exp(b2 - L)
    den = f1 * w_ref[0:1, :] + f2 * (T1 - w_ref[3:4, :])
    num0 = f1 * w_ref[1:2, :] + f2 * (Tq0 - w_ref[4:5, :])
    num1 = f1 * w_ref[2:3, :] + f2 * (Tq1 - w_ref[5:6, :])
    out_ref[0:1, :] = num0 / den + p_ref[0, 8]
    out_ref[1:2, :] = num1 / den + p_ref[0, 9]


_sc_call = pl.kernel(
    _sc_edge,
    out_type=jax.ShapeDtypeStruct((6 * N,), jnp.float32),
    mesh=plsc.VectorSubcoreMesh(core_axis_name="c", subcore_axis_name="s",
                                num_cores=2, num_subcores=16),
    scratch_types=[pltpu.VMEM((N,), jnp.float32)] * 8
    + [pltpu.VMEM((JPW,), jnp.float32)] * 6,
    compiler_params=pltpu.CompilerParams(needs_layout_passes=False),
)


def _layer(h2, params):
    feat = pl.pallas_call(
        _tc_pre,
        out_shape=jax.ShapeDtypeStruct((8, N), jnp.float32),
    )(h2, params)
    w = _sc_call(feat.reshape(8 * N)).reshape(6, N)
    return pl.pallas_call(
        _tc_post,
        out_shape=jax.ShapeDtypeStruct((2, N), jnp.float32),
    )(feat, w, params)


def _pack_params(lin_w, att_src, att_dst, bias):
    v = jnp.concatenate([
        lin_w[0].reshape(2), lin_w[1].reshape(2),
        att_src.reshape(2), att_dst.reshape(2), bias.reshape(2),
        jnp.zeros((6,), jnp.float32)])
    return v.reshape(1, 16)


@jax.jit
def kernel(x, lin_weight_0, src_weight_0, dst_weight_0, bias_weight_0,
           lin_weight_1, src_weight_1, dst_weight_1, bias_weight_1):
    xpos = (jnp.arange(N, dtype=jnp.float32) - N / 2).reshape(1, N)
    h2 = jnp.concatenate([x.reshape(1, N), xpos], axis=0)
    h2 = _layer(h2, _pack_params(lin_weight_0, src_weight_0, dst_weight_0,
                                 bias_weight_0))
    h2 = _layer(h2, _pack_params(lin_weight_1, src_weight_1, dst_weight_1,
                                 bias_weight_1))
    return h2.T

# --- scband reference (transcript-rebuilt; emitter-appended) ---
"""Pipeline reference for scband-gnn-79766132621792 (READ-ONLY COPY).

The authoritative reference and input builder live on the scoring server;
editing this copy changes nothing except your own understanding.
"""

import jax, jax.numpy as jnp
import numpy as np

NUM_NODES = 2048
NUM_LAYERS = 2


def setup_inputs(seed: int = 0) -> dict:
    key = jax.random.key(seed)
    ks = jax.random.split(key, 1 + 4 * NUM_LAYERS)
    inp = {"x": jax.random.normal(ks[0], (1, 1, NUM_NODES), dtype=jnp.float32)}
    i = 1
    for l in range(NUM_LAYERS):
        inp[f"lin_weight_{l}"] = jax.random.normal(ks[i], (2, 2), dtype=jnp.float32); i += 1
        inp[f"src_weight_{l}"] = jax.random.normal(ks[i], (1, 1, 2), dtype=jnp.float32); i += 1
        inp[f"dst_weight_{l}"] = jax.random.normal(ks[i], (1, 1, 2), dtype=jnp.float32); i += 1
        inp[f"bias_weight_{l}"] = jax.random.normal(ks[i], (2,), dtype=jnp.float32); i += 1
    return inp


def _gat_conv(x, src, dst, lin_w, att_src, att_dst, bias):
    # Functional GATConv (PyG semantics): lin -> per-head attention logits ->
    # edge softmax over destination neighborhoods -> weighted scatter-add.
    N = x.shape[0]
    H = att_src.shape[1]
    C = att_src.shape[2]
    h = x @ lin_w.T                       # [N, H*C]
    hh = h.reshape(N, H, C)               # [N, H, C]
    a_src = jnp.sum(hh * att_src, axis=-1)  # [N, H]
    a_dst = jnp.sum(hh * att_dst, axis=-1)  # [N, H]
    alpha = a_src[src] + a_dst[dst]         # [E, H] edge gather
    alpha = jax.nn.leaky_relu(alpha, negative_slope=0.2)
    amax = jax.ops.segment_max(alpha, dst, num_segments=N)
    alpha = jnp.exp(alpha - jax.lax.stop_gradient(amax)[dst])
    denom = jax.ops.segment_sum(alpha, dst, num_segments=N)
    alpha = alpha / (denom[dst] + 1e-16)
    msg = hh[src] * alpha[:, :, None]       # [E, H, C] edge gather
    out = jax.ops.segment_sum(msg, dst, num_segments=N)  # scatter-add
    return out.reshape(N, H * C) + bias


def reference(x,
              lin_weight_0, src_weight_0, dst_weight_0, bias_weight_0,
              lin_weight_1, src_weight_1, dst_weight_1, bias_weight_1):
    weights = {
        "lin_weight_0": lin_weight_0,
        "src_weight_0": src_weight_0,
        "dst_weight_0": dst_weight_0,
        "bias_weight_0": bias_weight_0,
        "lin_weight_1": lin_weight_1,
        "src_weight_1": src_weight_1,
        "dst_weight_1": dst_weight_1,
        "bias_weight_1": bias_weight_1,
    }
    x0 = x[0, 0]                     # [num_xs] == [N]
    N = x0.shape[0]
    nodes = jnp.arange(N)
    src = jnp.repeat(nodes, N)       # torch.repeat_interleave -> edge_idx[0]
    dst = jnp.tile(nodes, N)         # torch.tile              -> edge_idx[1]
    x_pos = jnp.arange(N, dtype=jnp.float32) - N / 2
    h = jnp.stack([x0, x_pos], axis=1)  # [N, 2]
    for l in range(NUM_LAYERS):
        h = _gat_conv(h, src, dst,
                      weights[f"lin_weight_{l}"],
                      weights[f"src_weight_{l}"],
                      weights[f"dst_weight_{l}"],
                      weights[f"bias_weight_{l}"])
    return h

if __name__ == "__main__":
    import jax
    _d = setup_inputs()
    print(jax.jit(kernel)(*tuple(_d.values())))

</pallas_src>

<mosaic_0001>
#map = affine_map<(d0, d1) -> (0)>
module attributes {stable_mosaic.version = 14 : i64} {
  func.func @_sc_edge(%arg0: i32, %arg1: i32, %arg2: memref<16384xf32, #tpu.memory_space<hbm>>, %arg3: memref<12288xf32, #tpu.memory_space<hbm>>, %arg4: memref<2048xf32, #tpu.memory_space<vmem>>, %arg5: memref<2048xf32, #tpu.memory_space<vmem>>, %arg6: memref<2048xf32, #tpu.memory_space<vmem>>, %arg7: memref<2048xf32, #tpu.memory_space<vmem>>, %arg8: memref<2048xf32, #tpu.memory_space<vmem>>, %arg9: memref<2048xf32, #tpu.memory_space<vmem>>, %arg10: memref<2048xf32, #tpu.memory_space<vmem>>, %arg11: memref<2048xf32, #tpu.memory_space<vmem>>, %arg12: memref<64xf32, #tpu.memory_space<vmem>>, %arg13: memref<64xf32, #tpu.memory_space<vmem>>, %arg14: memref<64xf32, #tpu.memory_space<vmem>>, %arg15: memref<64xf32, #tpu.memory_space<vmem>>, %arg16: memref<64xf32, #tpu.memory_space<vmem>>, %arg17: memref<64xf32, #tpu.memory_space<vmem>>) attributes {dimension_semantics = [#tpu.dimension_semantics<core_parallel>, #tpu.dimension_semantics<subcore_parallel>], iteration_bounds = array<i64: 2, 16>, scalar_prefetch = 0 : i64, scratch_operands = 14 : i64, tpu.core_type = #tpu.core_type<sc_vector_subcore>, window_params = [{transform_indices = #map}, {transform_indices = #map}]} {
    %mul3A = arith.constant 2 : i32
    %mul3A_0 = arith.muli %arg1, %mul3A : i32
    %add3A = arith.addi %mul3A_0, %arg0 : i32
    %mul3A_1 = arith.constant 64 : i32
    %mul3A_2 = arith.muli %add3A, %mul3A_1 : i32
    "tpu.region"() ({
      %run_scoped3A = tpu.sem_alloc : memref<!tpu.dma_semaphore, #tpu.memory_space<semaphore_mem>>
      %dma_start3A = arith.constant 0 : i32
      %dma_start3A_21 = tpu.memref_slice %arg2[%dma_start3A] : memref<16384xf32, #tpu.memory_space<hbm>> -> memref<2048xf32, #tpu.memory_space<hbm>>
      %dma_start3A_22 = arith.constant 0 : i32
      %dma_start3A_23 = tpu.memref_slice %arg2[%dma_start3A_22] : memref<16384xf32, #tpu.memory_space<hbm>> -> memref<2048xf32, #tpu.memory_space<hbm>>
      tpu.enqueue_dma source(%dma_start3A_23 : memref<2048xf32, #tpu.memory_space<hbm>>) target(%arg4 : memref<2048xf32, #tpu.memory_space<vmem>>) target_semaphore(%run_scoped3A : memref<!tpu.dma_semaphore, #tpu.memory_space<semaphore_mem>>)
      %dma_wait3A = arith.constant 0 : i32
      %dma_wait3A_24 = tpu.memref_slice %arg2[%dma_wait3A] : memref<16384xf32, #tpu.memory_space<hbm>> -> memref<2048xf32, #tpu.memory_space<hbm>>
      %dma_wait3A_25 = arith.constant 0 : i32
      %dma_wait3A_26 = tpu.memref_slice %arg2[%dma_wait3A_25] : memref<16384xf32, #tpu.memory_space<hbm>> -> memref<2048xf32, #tpu.memory_space<hbm>>
      tpu.wait_dma2 semaphore(%run_scoped3A : memref<!tpu.dma_semaphore, #tpu.memory_space<semaphore_mem>>) src(%dma_wait3A_26 : memref<2048xf32, #tpu.memory_space<hbm>>) dst(%arg4 : memref<2048xf32, #tpu.memory_space<vmem>>)
      tpu.yield
    }) : () -> ()
    "tpu.region"() ({
      %run_scoped3A = tpu.sem_alloc : memref<!tpu.dma_semaphore, #tpu.memory_space<semaphore_mem>>
      %dma_start3A = arith.constant 2048 : i32
      %dma_start3A_21 = tpu.memref_slice %arg2[%dma_start3A] : memref<16384xf32, #tpu.memory_space<hbm>> -> memref<2048xf32, #tpu.memory_space<hbm>>
      %dma_start3A_22 = arith.constant 2048 : i32
      %dma_start3A_23 = tpu.memref_slice %arg2[%dma_start3A_22] : memref<16384xf32, #tpu.memory_space<hbm>> -> memref<2048xf32, #tpu.memory_space<hbm>>
      tpu.enqueue_dma source(%dma_start3A_23 : memref<2048xf32, #tpu.memory_space<hbm>>) target(%arg5 : memref<2048xf32, #tpu.memory_space<vmem>>) target_semaphore(%run_scoped3A : memref<!tpu.dma_semaphore, #tpu.memory_space<semaphore_mem>>)
      %dma_wait3A = arith.constant 2048 : i32
      %dma_wait3A_24 = tpu.memref_slice %arg2[%dma_wait3A] : memref<16384xf32, #tpu.memory_space<hbm>> -> memref<2048xf32, #tpu.memory_space<hbm>>
      %dma_wait3A_25 = arith.constant 2048 : i32
      %dma_wait3A_26 = tpu.memref_slice %arg2[%dma_wait3A_25] : memref<16384xf32, #tpu.memory_space<hbm>> -> memref<2048xf32, #tpu.memory_space<hbm>>
      tpu.wait_dma2 semaphore(%run_scoped3A : memref<!tpu.dma_semaphore, #tpu.memory_space<semaphore_mem>>) src(%dma_wait3A_26 : memref<2048xf32, #tpu.memory_space<hbm>>) dst(%arg5 : memref<2048xf32, #tpu.memory_space<vmem>>)
      tpu.yield
    }) : () -> ()
    "tpu.region"() ({
      %run_scoped3A = tpu.sem_alloc : memref<!tpu.dma_semaphore, #tpu.memory_space<semaphore_mem>>
      %dma_start3A = arith.constant 4096 : i32
      %dma_start3A_21 = tpu.memref_slice %arg2[%dma_start3A] : memref<16384xf32, #tpu.memory_space<hbm>> -> memref<2048xf32, #tpu.memory_space<hbm>>
      %dma_start3A_22 = arith.constant 4096 : i32
      %dma_start3A_23 = tpu.memref_slice %arg2[%dma_start3A_22] : memref<16384xf32, #tpu.memory_space<hbm>> -> memref<2048xf32, #tpu.memory_space<hbm>>
      tpu.enqueue_dma source(%dma_start3A_23 : memref<2048xf32, #tpu.memory_space<hbm>>) target(%arg6 : memref<2048xf32, #tpu.memory_space<vmem>>) target_semaphore(%run_scoped3A : memref<!tpu.dma_semaphore, #tpu.memory_space<semaphore_mem>>)
      %dma_wait3A = arith.constant 4096 : i32
      %dma_wait3A_24 = tpu.memref_slice %arg2[%dma_wait3A] : memref<16384xf32, #tpu.memory_space<hbm>> -> memref<2048xf32, #tpu.memory_space<hbm>>
      %dma_wait3A_25 = arith.constant 4096 : i32
      %dma_wait3A_26 = tpu.memref_slice %arg2[%dma_wait3A_25] : memref<16384xf32, #tpu.memory_space<hbm>> -> memref<2048xf32, #tpu.memory_space<hbm>>
      tpu.wait_dma2 semaphore(%run_scoped3A : memref<!tpu.dma_semaphore, #tpu.memory_space<semaphore_mem>>) src(%dma_wait3A_26 : memref<2048xf32, #tpu.memory_space<hbm>>) dst(%arg6 : memref<2048xf32, #tpu.memory_space<vmem>>)
      tpu.yield
    }) : () -> ()
    "tpu.region"() ({
      %run_scoped3A = tpu.sem_alloc : memref<!tpu.dma_semaphore, #tpu.memory_space<semaphore_mem>>
      %dma_start3A = arith.constant 6144 : i32
      %dma_start3A_21 = tpu.memref_slice %arg2[%dma_start3A] : memref<16384xf32, #tpu.memory_space<hbm>> -> memref<2048xf32, #tpu.memory_space<hbm>>
      %dma_start3A_22 = arith.constant 6144 : i32
      %dma_start3A_23 = tpu.memref_slice %arg2[%dma_start3A_22] : memref<16384xf32, #tpu.memory_space<hbm>> -> memref<2048xf32, #tpu.memory_space<hbm>>
      tpu.enqueue_dma source(%dma_start3A_23 : memref<2048xf32, #tpu.memory_space<hbm>>) target(%arg7 : memref<2048xf32, #tpu.memory_space<vmem>>) target_semaphore(%run_scoped3A : memref<!tpu.dma_semaphore, #tpu.memory_space<semaphore_mem>>)
      %dma_wait3A = arith.constant 6144 : i32
      %dma_wait3A_24 = tpu.memref_slice %arg2[%dma_wait3A] : memref<16384xf32, #tpu.memory_space<hbm>> -> memref<2048xf32, #tpu.memory_space<hbm>>
      %dma_wait3A_25 = arith.constant 6144 : i32
      %dma_wait3A_26 = tpu.memref_slice %arg2[%dma_wait3A_25] : memref<16384xf32, #tpu.memory_space<hbm>> -> memref<2048xf32, #tpu.memory_space<hbm>>
      tpu.wait_dma2 semaphore(%run_scoped3A : memref<!tpu.dma_semaphore, #tpu.memory_space<semaphore_mem>>) src(%dma_wait3A_26 : memref<2048xf32, #tpu.memory_space<hbm>>) dst(%arg7 : memref<2048xf32, #tpu.memory_space<vmem>>)
      tpu.yield
    }) : () -> ()
    "tpu.region"() ({
      %run_scoped3A = tpu.sem_alloc : memref<!tpu.dma_semaphore, #tpu.memory_space<semaphore_mem>>
      %dma_start3A = arith.constant 8192 : i32
      %dma_start3A_21 = tpu.memref_slice %arg2[%dma_start3A] : memref<16384xf32, #tpu.memory_space<hbm>> -> memref<2048xf32, #tpu.memory_space<hbm>>
      %dma_start3A_22 = arith.constant 8192 : i32
      %dma_start3A_23 = tpu.memref_slice %arg2[%dma_start3A_22] : memref<16384xf32, #tpu.memory_space<hbm>> -> memref<2048xf32, #tpu.memory_space<hbm>>
      tpu.enqueue_dma source(%dma_start3A_23 : memref<2048xf32, #tpu.memory_space<hbm>>) target(%arg8 : memref<2048xf32, #tpu.memory_space<vmem>>) target_semaphore(%run_scoped3A : memref<!tpu.dma_semaphore, #tpu.memory_space<semaphore_mem>>)
      %dma_wait3A = arith.constant 8192 : i32
      %dma_wait3A_24 = tpu.memref_slice %arg2[%dma_wait3A] : memref<16384xf32, #tpu.memory_space<hbm>> -> memref<2048xf32, #tpu.memory_space<hbm>>
      %dma_wait3A_25 = arith.constant 8192 : i32
      %dma_wait3A_26 = tpu.memref_slice %arg2[%dma_wait3A_25] : memref<16384xf32, #tpu.memory_space<hbm>> -> memref<2048xf32, #tpu.memory_space<hbm>>
      tpu.wait_dma2 semaphore(%run_scoped3A : memref<!tpu.dma_semaphore, #tpu.memory_space<semaphore_mem>>) src(%dma_wait3A_26 : memref<2048xf32, #tpu.memory_space<hbm>>) dst(%arg8 : memref<2048xf32, #tpu.memory_space<vmem>>)
      tpu.yield
    }) : () -> ()
    "tpu.region"() ({
      %run_scoped3A = tpu.sem_alloc : memref<!tpu.dma_semaphore, #tpu.memory_space<semaphore_mem>>
      %dma_start3A = arith.constant 10240 : i32
      %dma_start3A_21 = tpu.memref_slice %arg2[%dma_start3A] : memref<16384xf32, #tpu.memory_space<hbm>> -> memref<2048xf32, #tpu.memory_space<hbm>>
      %dma_start3A_22 = arith.constant 10240 : i32
      %dma_start3A_23 = tpu.memref_slice %arg2[%dma_start3A_22] : memref<16384xf32, #tpu.memory_space<hbm>> -> memref<2048xf32, #tpu.memory_space<hbm>>
      tpu.enqueue_dma source(%dma_start3A_23 : memref<2048xf32, #tpu.memory_space<hbm>>) target(%arg9 : memref<2048xf32, #tpu.memory_space<vmem>>) target_semaphore(%run_scoped3A : memref<!tpu.dma_semaphore, #tpu.memory_space<semaphore_mem>>)
      %dma_wait3A = arith.constant 10240 : i32
      %dma_wait3A_24 = tpu.memref_slice %arg2[%dma_wait3A] : memref<16384xf32, #tpu.memory_space<hbm>> -> memref<2048xf32, #tpu.memory_space<hbm>>
      %dma_wait3A_25 = arith.constant 10240 : i32
      %dma_wait3A_26 = tpu.memref_slice %arg2[%dma_wait3A_25] : memref<16384xf32, #tpu.memory_space<hbm>> -> memref<2048xf32, #tpu.memory_space<hbm>>
      tpu.wait_dma2 semaphore(%run_scoped3A : memref<!tpu.dma_semaphore, #tpu.memory_space<semaphore_mem>>) src(%dma_wait3A_26 : memref<2048xf32, #tpu.memory_space<hbm>>) dst(%arg9 : memref<2048xf32, #tpu.memory_space<vmem>>)
      tpu.yield
    }) : () -> ()
    "tpu.region"() ({
      %run_scoped3A = tpu.sem_alloc : memref<!tpu.dma_semaphore, #tpu.memory_space<semaphore_mem>>
      %dma_start3A = arith.constant 12288 : i32
      %dma_start3A_21 = tpu.memref_slice %arg2[%dma_start3A] : memref<16384xf32, #tpu.memory_space<hbm>> -> memref<2048xf32, #tpu.memory_space<hbm>>
      %dma_start3A_22 = arith.constant 12288 : i32
      %dma_start3A_23 = tpu.memref_slice %arg2[%dma_start3A_22] : memref<16384xf32, #tpu.memory_space<hbm>> -> memref<2048xf32, #tpu.memory_space<hbm>>
      tpu.enqueue_dma source(%dma_start3A_23 : memref<2048xf32, #tpu.memory_space<hbm>>) target(%arg10 : memref<2048xf32, #tpu.memory_space<vmem>>) target_semaphore(%run_scoped3A : memref<!tpu.dma_semaphore, #tpu.memory_space<semaphore_mem>>)
      %dma_wait3A = arith.constant 12288 : i32
      %dma_wait3A_24 = tpu.memref_slice %arg2[%dma_wait3A] : memref<16384xf32, #tpu.memory_space<hbm>> -> memref<2048xf32, #tpu.memory_space<hbm>>
      %dma_wait3A_25 = arith.constant 12288 : i32
      %dma_wait3A_26 = tpu.memref_slice %arg2[%dma_wait3A_25] : memref<16384xf32, #tpu.memory_space<hbm>> -> memref<2048xf32, #tpu.memory_space<hbm>>
      tpu.wait_dma2 semaphore(%run_scoped3A : memref<!tpu.dma_semaphore, #tpu.memory_space<semaphore_mem>>) src(%dma_wait3A_26 : memref<2048xf32, #tpu.memory_space<hbm>>) dst(%arg10 : memref<2048xf32, #tpu.memory_space<vmem>>)
      tpu.yield
    }) : () -> ()
    "tpu.region"() ({
      %run_scoped3A = tpu.sem_alloc : memref<!tpu.dma_semaphore, #tpu.memory_space<semaphore_mem>>
      %dma_start3A = arith.constant 14336 : i32
      %dma_start3A_21 = tpu.memref_slice %arg2[%dma_start3A] : memref<16384xf32, #tpu.memory_space<hbm>> -> memref<2048xf32, #tpu.memory_space<hbm>>
      %dma_start3A_22 = arith.constant 14336 : i32
      %dma_start3A_23 = tpu.memref_slice %arg2[%dma_start3A_22] : memref<16384xf32, #tpu.memory_space<hbm>> -> memref<2048xf32, #tpu.memory_space<hbm>>
      tpu.enqueue_dma source(%dma_start3A_23 : memref<2048xf32, #tpu.memory_space<hbm>>) target(%arg11 : memref<2048xf32, #tpu.memory_space<vmem>>) target_semaphore(%run_scoped3A : memref<!tpu.dma_semaphore, #tpu.memory_space<semaphore_mem>>)
      %dma_wait3A = arith.constant 14336 : i32
      %dma_wait3A_24 = tpu.memref_slice %arg2[%dma_wait3A] : memref<16384xf32, #tpu.memory_space<hbm>> -> memref<2048xf32, #tpu.memory_space<hbm>>
      %dma_wait3A_25 = arith.constant 14336 : i32
      %dma_wait3A_26 = tpu.memref_slice %arg2[%dma_wait3A_25] : memref<16384xf32, #tpu.memory_space<hbm>> -> memref<2048xf32, #tpu.memory_space<hbm>>
      tpu.wait_dma2 semaphore(%run_scoped3A : memref<!tpu.dma_semaphore, #tpu.memory_space<semaphore_mem>>) src(%dma_wait3A_26 : memref<2048xf32, #tpu.memory_space<hbm>>) dst(%arg11 : memref<2048xf32, #tpu.memory_space<vmem>>)
      tpu.yield
    }) : () -> ()
    %iota3A = tpu.iota {dimensions = array<i32: 0>} : vector<16xi32>
    %scan3A = arith.constant 0 : i32
    %scan3A_3 = arith.constant 0 : i32
    %scan3A_4 = arith.constant 4 : i32
    %scan3A_5 = arith.addi %scan3A_3, %scan3A_4 : i32
    %scan3A_6 = arith.constant 1 : i32
    %scan3A_7 = scf.for %scan3A_21 = %scan3A_3 to %scan3A_5 step %scan3A_6 iter_args(%scan3A_22 = %scan3A) -> (i32)  : i32 {
      %broadcast_in_dim3A = arith.constant 0.000000e+00 : f32
      %broadcast_in_dim3A_23 = vector.broadcast %broadcast_in_dim3A : f32 to vector<16xf32>
      %broadcast_in_dim3A_24 = arith.constant 0.000000e+00 : f32
      %broadcast_in_dim3A_25 = vector.broadcast %broadcast_in_dim3A_24 : f32 to vector<16xf32>
      %broadcast_in_dim3A_26 = arith.constant 0.000000e+00 : f32
      %broadcast_in_dim3A_27 = vector.broadcast %broadcast_in_dim3A_26 : f32 to vector<16xf32>
      %broadcast_in_dim3A_28 = arith.constant 0.000000e+00 : f32
      %broadcast_in_dim3A_29 = vector.broadcast %broadcast_in_dim3A_28 : f32 to vector<16xf32>
      %broadcast_in_dim3A_30 = arith.constant 0.000000e+00 : f32
      %broadcast_in_dim3A_31 = vector.broadcast %broadcast_in_dim3A_30 : f32 to vector<16xf32>
      %broadcast_in_dim3A_32 = arith.constant 0.000000e+00 : f32
      %broadcast_in_dim3A_33 = vector.broadcast %broadcast_in_dim3A_32 : f32 to vector<16xf32>
      %scan3A_34 = arith.constant 0 : i32
      %scan3A_35 = arith.constant 16 : i32
      %scan3A_36 = arith.addi %scan3A_34, %scan3A_35 : i32
      %scan3A_37 = arith.constant 1 : i32
      %scan3A_38:6 = scf.for %scan3A_64 = %scan3A_34 to %scan3A_36 step %scan3A_37 iter_args(%scan3A_65 = %broadcast_in_dim3A_23, %scan3A_66 = %broadcast_in_dim3A_25, %scan3A_67 = %broadcast_in_dim3A_27, %scan3A_68 = %broadcast_in_dim3A_29, %scan3A_69 = %broadcast_in_dim3A_31, %scan3A_70 = %broadcast_in_dim3A_33) -> (vector<16xf32>, vector<16xf32>, vector<16xf32>, vector<16xf32>, vector<16xf32>, vector<16xf32>)  : i32 {
        %mul3A_71 = arith.constant 16 : i32
        %mul3A_72 = arith.muli %scan3A_21, %mul3A_71 : i32
        %add3A_73 = arith.addi %mul3A_2, %mul3A_72 : i32
        %add3A_74 = arith.addi %add3A_73, %scan3A_64 : i32
        %broadcast_in_dim3A_75 = vector.broadcast %add3A_74 : i32 to vector<16xi32>
        %gather3A = tpu.vector_load_idx %arg5[%broadcast_in_dim3A_75] : memref<2048xf32, #tpu.memory_space<vmem>>[vector<16xi32>], vector<16xf32>,
        %broadcast_in_dim3A_76 = arith.constant 0.000000e+00 : f32
        %broadcast_in_dim3A_77 = vector.broadcast %broadcast_in_dim3A_76 : f32 to vector<16xf32>
        %broadcast_in_dim3A_78 = arith.constant 0.000000e+00 : f32
        %broadcast_in_dim3A_79 = vector.broadcast %broadcast_in_dim3A_78 : f32 to vector<16xf32>
        %broadcast_in_dim3A_80 = arith.constant 0.000000e+00 : f32
        %broadcast_in_dim3A_81 = vector.broadcast %broadcast_in_dim3A_80 : f32 to vector<16xf32>
        %broadcast_in_dim3A_82 = arith.constant 0.000000e+00 : f32
        %broadcast_in_dim3A_83 = vector.broadcast %broadcast_in_dim3A_82 : f32 to vector<16xf32>
        %broadcast_in_dim3A_84 = arith.constant 0.000000e+00 : f32
        %broadcast_in_dim3A_85 = vector.broadcast %broadcast_in_dim3A_84 : f32 to vector<16xf32>
        %broadcast_in_dim3A_86 = arith.constant 0.000000e+00 : f32
        %broadcast_in_dim3A_87 = vector.broadcast %broadcast_in_dim3A_86 : f32 to vector<16xf32>
        %scan3A_88 = arith.constant 0 : i32
        %scan3A_89 = arith.constant 128 : i32
        %scan3A_90 = arith.addi %scan3A_88, %scan3A_89 : i32
        %scan3A_91 = arith.constant 1 : i32
        %scan3A_92:6 = scf.for %scan3A_129 = %scan3A_88 to %scan3A_90 step %scan3A_91 iter_args(%scan3A_130 = %broadcast_in_dim3A_77, %scan3A_131 = %broadcast_in_dim3A_79, %scan3A_132 = %broadcast_in_dim3A_81, %scan3A_133 = %broadcast_in_dim3A_83, %scan3A_134 = %broadcast_in_dim3A_85, %scan3A_135 = %broadcast_in_dim3A_87) -> (vector<16xf32>, vector<16xf32>, vector<16xf32>, vector<16xf32>, vector<16xf32>, vector<16xf32>)  : i32 {
          %mul3A_136 = arith.constant 16 : i32
          %mul3A_137 = arith.muli %scan3A_129, %mul3A_136 : i32
          %get3A = arith.index_cast %mul3A_137 : i32 to index
          %get3A_138 = tpu.vector_load %arg4[%get3A] {strides = array<i32>} : memref<2048xf32, #tpu.memory_space<vmem>>, vector<16xf32>,
          %le3A = arith.cmpf ole, %get3A_138, %gather3A : vector<16xf32>
          %broadcast_in_dim3A_139 = arith.constant 0.000000e+00 : f32
          %broadcast_in_dim3A_140 = vector.broadcast %broadcast_in_dim3A_139 : f32 to vector<16xf32>
          %get3A_141 = arith.index_cast %mul3A_137 : i32 to index
          %get3A_142 = tpu.vector_load %arg6[%get3A_141] {strides = array<i32>} : memref<2048xf32, #tpu.memory_space<vmem>>, vector<16xf32>,
          %select_n3A_143 = arith.select %le3A, %get3A_142, %broadcast_in_dim3A_140 : vector<16xi1>, vector<16xf32>
          %add3A_144 = arith.addf %scan3A_130, %select_n3A_143 : vector<16xf32>
          %get3A_145 = arith.index_cast %mul3A_137 : i32 to index
          %get3A_146 = tpu.vector_load %arg7[%get3A_145] {strides = array<i32>} : memref<2048xf32, #tpu.memory_space<vmem>>, vector<16xf32>,
          %select_n3A_147 = arith.select %le3A, %get3A_146, %broadcast_in_dim3A_140 : vector<16xi1>, vector<16xf32>
          %add3A_148 = arith.addf %scan3A_131, %select_n3A_147 : vector<16xf32>
          %get3A_149 = arith.index_cast %mul3A_137 : i32 to index
          %get3A_150 = tpu.vector_load %arg8[%get3A_149] {strides = array<i32>} : memref<2048xf32, #tpu.memory_space<vmem>>, vector<16xf32>,
          %select_n3A_151 = arith.select %le3A, %get3A_150, %broadcast_in_dim3A_140 : vector<16xi1>, vector<16xf32>
          %add3A_152 = arith.addf %scan3A_132, %select_n3A_151 : vector<16xf32>
          %get3A_153 = arith.index_cast %mul3A_137 : i32 to index
          %get3A_154 = tpu.vector_load %arg9[%get3A_153] {strides = array<i32>} : memref<2048xf32, #tpu.memory_space<vmem>>, vector<16xf32>,
          %select_n3A_155 = arith.select %le3A, %get3A_154, %broadcast_in_dim3A_140 : vector<16xi1>, vector<16xf32>
          %add3A_156 = arith.addf %scan3A_133, %select_n3A_155 : vector<16xf32>
          %get3A_157 = arith.index_cast %mul3A_137 : i32 to index
          %get3A_158 = tpu.vector_load %arg10[%get3A_157] {strides = array<i32>} : memref<2048xf32, #tpu.memory_space<vmem>>, vector<16xf32>,
          %select_n3A_159 = arith.select %le3A, %get3A_158, %broadcast_in_dim3A_140 : vector<16xi1>, vector<16xf32>
          %add3A_160 = arith.addf %scan3A_134, %select_n3A_159 : vector<16xf32>
          %get3A_161 = arith.index_cast %mul3A_137 : i32 to index
          %get3A_162 = tpu.vector_load %arg11[%get3A_161] {strides = array<i32>} : memref<2048xf32, #tpu.memory_space<vmem>>, vector<16xf32>,
          %select_n3A_163 = arith.select %le3A, %get3A_162, %broadcast_in_dim3A_140 : vector<16xi1>, vector<16xf32>
          %add3A_164 = arith.addf %scan3A_135, %select_n3A_163 : vector<16xf32>
          scf.yield %add3A_144, %add3A_148, %add3A_152, %add3A_156, %add3A_160, %add3A_164 : vector<16xf32>, vector<16xf32>, vector<16xf32>, vector<16xf32>, vector<16xf32>, vector<16xf32>
        }
        %scan3A_93 = arith.constant 128 : i32
        %eq3A = vector.broadcast %scan3A_64 : i32 to vector<16xi32>
        %eq3A_94 = arith.cmpi eq, %iota3A, %eq3A : vector<16xi32>
        %reduce_sum3A = arith.constant true
        %reduce_sum3A_95 = vector.broadcast %reduce_sum3A : i1 to vector<16xi1>
        %reduce_sum3A_96 = tpu.scan <sum>, %scan3A_92#0 masked %reduce_sum3A_95 : vector<16xf32>, vector<16xi1> -> vector<16xf32>
        %reduce_sum3A_97 = vector.extract %reduce_sum3A_96[15] : f32 from vector<16xf32>
        %broadcast_in_dim3A_98 = vector.broadcast %reduce_sum3A_97 : f32 to vector<16xf32>
        %select_n3A = arith.select %eq3A_94, %broadcast_in_dim3A_98, %scan3A_65 : vector<16xi1>, vector<16xf32>
        %reduce_sum3A_99 = arith.constant true
        %reduce_sum3A_100 = vector.broadcast %reduce_sum3A_99 : i1 to vector<16xi1>
        %reduce_sum3A_101 = tpu.scan <sum>, %scan3A_92#1 masked %reduce_sum3A_100 : vector<16xf32>, vector<16xi1> -> vector<16xf32>
        %reduce_sum3A_102 = vector.extract %reduce_sum3A_101[15] : f32 from vector<16xf32>
        %broadcast_in_dim3A_103 = vector.broadcast %reduce_sum3A_102 : f32 to vector<16xf32>
        %select_n3A_104 = arith.select %eq3A_94, %broadcast_in_dim3A_103, %scan3A_66 : vector<16xi1>, vector<16xf32>
        %reduce_sum3A_105 = arith.constant true
        %reduce_sum3A_106 = vector.broadcast %reduce_sum3A_105 : i1 to vector<16xi1>
        %reduce_sum3A_107 = tpu.scan <sum>, %scan3A_92#2 masked %reduce_sum3A_106 : vector<16xf32>, vector<16xi1> -> vector<16xf32>
        %reduce_sum3A_108 = vector.extract %reduce_sum3A_107[15] : f32 from vector<16xf32>
        %broadcast_in_dim3A_109 = vector.broadcast %reduce_sum3A_108 : f32 to vector<16xf32>
        %select_n3A_110 = arith.select %eq3A_94, %broadcast_in_dim3A_109, %scan3A_67 : vector<16xi1>, vector<16xf32>
        %reduce_sum3A_111 = arith.constant true
        %reduce_sum3A_112 = vector.broadcast %reduce_sum3A_111 : i1 to vector<16xi1>
        %reduce_sum3A_113 = tpu.scan <sum>, %scan3A_92#3 masked %reduce_sum3A_112 : vector<16xf32>, vector<16xi1> -> vector<16xf32>
        %reduce_sum3A_114 = vector.extract %reduce_sum3A_113[15] : f32 from vector<16xf32>
        %broadcast_in_dim3A_115 = vector.broadcast %reduce_sum3A_114 : f32 to vector<16xf32>
        %select_n3A_116 = arith.select %eq3A_94, %broadcast_in_dim3A_115, %scan3A_68 : vector<16xi1>, vector<16xf32>
        %reduce_sum3A_117 = arith.constant true
        %reduce_sum3A_118 = vector.broadcast %reduce_sum3A_117 : i1 to vector<16xi1>
        %reduce_sum3A_119 = tpu.scan <sum>, %scan3A_92#4 masked %reduce_sum3A_118 : vector<16xf32>, vector<16xi1> -> vector<16xf32>
        %reduce_sum3A_120 = vector.extract %reduce_sum3A_119[15] : f32 from vector<16xf32>
        %broadcast_in_dim3A_121 = vector.broadcast %reduce_sum3A_120 : f32 to vector<16xf32>
        %select_n3A_122 = arith.select %eq3A_94, %broadcast_in_dim3A_121, %scan3A_69 : vector<16xi1>, vector<16xf32>
        %reduce_sum3A_123 = arith.constant true
        %reduce_sum3A_124 = vector.broadcast %reduce_sum3A_123 : i1 to vector<16xi1>
        %reduce_sum3A_125 = tpu.scan <sum>, %scan3A_92#5 masked %reduce_sum3A_124 : vector<16xf32>, vector<16xi1> -> vector<16xf32>
        %reduce_sum3A_126 = vector.extract %reduce_sum3A_125[15] : f32 from vector<16xf32>
        %broadcast_in_dim3A_127 = vector.broadcast %reduce_sum3A_126 : f32 to vector<16xf32>
        %select_n3A_128 = arith.select %eq3A_94, %broadcast_in_dim3A_127, %scan3A_70 : vector<16xi1>, vector<16xf32>
        scf.yield %select_n3A, %select_n3A_104, %select_n3A_110, %select_n3A_116, %select_n3A_122, %select_n3A_128 : vector<16xf32>, vector<16xf32>, vector<16xf32>, vector<16xf32>, vector<16xf32>, vector<16xf32>
      }
      %scan3A_39 = arith.constant 16 : i32
      %mul3A_40 = arith.constant 16 : i32
      %mul3A_41 = arith.muli %scan3A_21, %mul3A_40 : i32
      %swap3A = arith.index_cast %mul3A_41 : i32 to index
      %swap3A_42 = tpu.vector_load %arg12[%swap3A] {strides = array<i32>} : memref<64xf32, #tpu.memory_space<vmem>>, vector<16xf32>,
      tpu.vector_store %arg12[%swap3A], %scan3A_38#0 {strides = array<i32>} : memref<64xf32, #tpu.memory_space<vmem>>, vector<16xf32>,
      %mul3A_43 = arith.constant 16 : i32
      %mul3A_44 = arith.muli %scan3A_21, %mul3A_43 : i32
      %swap3A_45 = arith.index_cast %mul3A_44 : i32 to index
      %swap3A_46 = tpu.vector_load %arg13[%swap3A_45] {strides = array<i32>} : memref<64xf32, #tpu.memory_space<vmem>>, vector<16xf32>,
      tpu.vector_store %arg13[%swap3A_45], %scan3A_38#1 {strides = array<i32>} : memref<64xf32, #tpu.memory_space<vmem>>, vector<16xf32>,
      %mul3A_47 = arith.constant 16 : i32
      %mul3A_48 = arith.muli %scan3A_21, %mul3A_47 : i32
      %swap3A_49 = arith.index_cast %mul3A_48 : i32 to index
      %swap3A_50 = tpu.vector_load %arg14[%swap3A_49] {strides = array<i32>} : memref<64xf32, #tpu.memory_space<vmem>>, vector<16xf32>,
      tpu.vector_store %arg14[%swap3A_49], %scan3A_38#2 {strides = array<i32>} : memref<64xf32, #tpu.memory_space<vmem>>, vector<16xf32>,
      %mul3A_51 = arith.constant 16 : i32
      %mul3A_52 = arith.muli %scan3A_21, %mul3A_51 : i32
      %swap3A_53 = arith.index_cast %mul3A_52 : i32 to index
      %swap3A_54 = tpu.vector_load %arg15[%swap3A_53] {strides = array<i32>} : memref<64xf32, #tpu.memory_space<vmem>>, vector<16xf32>,
      tpu.vector_store %arg15[%swap3A_53], %scan3A_38#3 {strides = array<i32>} : memref<64xf32, #tpu.memory_space<vmem>>, vector<16xf32>,
      %mul3A_55 = arith.constant 16 : i32
      %mul3A_56 = arith.muli %scan3A_21, %mul3A_55 : i32
      %swap3A_57 = arith.index_cast %mul3A_56 : i32 to index
      %swap3A_58 = tpu.vector_load %arg16[%swap3A_57] {strides = array<i32>} : memref<64xf32, #tpu.memory_space<vmem>>, vector<16xf32>,
      tpu.vector_store %arg16[%swap3A_57], %scan3A_38#4 {strides = array<i32>} : memref<64xf32, #tpu.memory_space<vmem>>, vector<16xf32>,
      %mul3A_59 = arith.constant 16 : i32
      %mul3A_60 = arith.muli %scan3A_21, %mul3A_59 : i32
      %swap3A_61 = arith.index_cast %mul3A_60 : i32 to index
      %swap3A_62 = tpu.vector_load %arg17[%swap3A_61] {strides = array<i32>} : memref<64xf32, #tpu.memory_space<vmem>>, vector<16xf32>,
      tpu.vector_store %arg17[%swap3A_61], %scan3A_38#5 {strides = array<i32>} : memref<64xf32, #tpu.memory_space<vmem>>, vector<16xf32>,
      %scan3A_63 = arith.constant 0 : i32
      scf.yield %scan3A_63 : i32
    }
    %scan3A_8 = arith.constant 4 : i32
    %add3A_9 = arith.constant 0 : i32
    %add3A_10 = arith.addi %add3A_9, %mul3A_2 : i32
    "tpu.region"() ({
      %run_scoped3A = tpu.sem_alloc : memref<!tpu.dma_semaphore, #tpu.memory_space<semaphore_mem>>
      %dma_start3A = tpu.memref_slice %arg3[%add3A_10] : memref<12288xf32, #tpu.memory_space<hbm>> -> memref<64xf32, #tpu.memory_space<hbm>>
      %dma_start3A_21 = tpu.memref_slice %arg3[%add3A_10] : memref<12288xf32, #tpu.memory_space<hbm>> -> memref<64xf32, #tpu.memory_space<hbm>>
      tpu.enqueue_dma source(%arg12 : memref<64xf32, #tpu.memory_space<vmem>>) target(%dma_start3A_21 : memref<64xf32, #tpu.memory_space<hbm>>) target_semaphore(%run_scoped3A : memref<!tpu.dma_semaphore, #tpu.memory_space<semaphore_mem>>)
      %dma_wait3A = tpu.memref_slice %arg3[%add3A_10] : memref<12288xf32, #tpu.memory_space<hbm>> -> memref<64xf32, #tpu.memory_space<hbm>>
      %dma_wait3A_22 = tpu.memref_slice %arg3[%add3A_10] : memref<12288xf32, #tpu.memory_space<hbm>> -> memref<64xf32, #tpu.memory_space<hbm>>
      tpu.wait_dma2 semaphore(%run_scoped3A : memref<!tpu.dma_semaphore, #tpu.memory_space<semaphore_mem>>) src(%arg12 : memref<64xf32, #tpu.memory_space<vmem>>) dst(%dma_wait3A_22 : memref<64xf32, #tpu.memory_space<hbm>>)
      tpu.yield
    }) : () -> ()
    %add3A_11 = arith.constant 2048 : i32
    %add3A_12 = arith.addi %add3A_11, %mul3A_2 : i32
    "tpu.region"() ({
      %run_scoped3A = tpu.sem_alloc : memref<!tpu.dma_semaphore, #tpu.memory_space<semaphore_mem>>
      %dma_start3A = tpu.memref_slice %arg3[%add3A_12] : memref<12288xf32, #tpu.memory_space<hbm>> -> memref<64xf32, #tpu.memory_space<hbm>>
      %dma_start3A_21 = tpu.memref_slice %arg3[%add3A_12] : memref<12288xf32, #tpu.memory_space<hbm>> -> memref<64xf32, #tpu.memory_space<hbm>>
      tpu.enqueue_dma source(%arg13 : memref<64xf32, #tpu.memory_space<vmem>>) target(%dma_start3A_21 : memref<64xf32, #tpu.memory_space<hbm>>) target_semaphore(%run_scoped3A : memref<!tpu.dma_semaphore, #tpu.memory_space<semaphore_mem>>)
      %dma_wait3A = tpu.memref_slice %arg3[%add3A_12] : memref<12288xf32, #tpu.memory_space<hbm>> -> memref<64xf32, #tpu.memory_space<hbm>>
      %dma_wait3A_22 = tpu.memref_slice %arg3[%add3A_12] : memref<12288xf32, #tpu.memory_space<hbm>> -> memref<64xf32, #tpu.memory_space<hbm>>
      tpu.wait_dma2 semaphore(%run_scoped3A : memref<!tpu.dma_semaphore, #tpu.memory_space<semaphore_mem>>) src(%arg13 : memref<64xf32, #tpu.memory_space<vmem>>) dst(%dma_wait3A_22 : memref<64xf32, #tpu.memory_space<hbm>>)
      tpu.yield
    }) : () -> ()
    %add3A_13 = arith.constant 4096 : i32
    %add3A_14 = arith.addi %add3A_13, %mul3A_2 : i32
    "tpu.region"() ({
      %run_scoped3A = tpu.sem_alloc : memref<!tpu.dma_semaphore, #tpu.memory_space<semaphore_mem>>
      %dma_start3A = tpu.memref_slice %arg3[%add3A_14] : memref<12288xf32, #tpu.memory_space<hbm>> -> memref<64xf32, #tpu.memory_space<hbm>>
      %dma_start3A_21 = tpu.memref_slice %arg3[%add3A_14] : memref<12288xf32, #tpu.memory_space<hbm>> -> memref<64xf32, #tpu.memory_space<hbm>>
      tpu.enqueue_dma source(%arg14 : memref<64xf32, #tpu.memory_space<vmem>>) target(%dma_start3A_21 : memref<64xf32, #tpu.memory_space<hbm>>) target_semaphore(%run_scoped3A : memref<!tpu.dma_semaphore, #tpu.memory_space<semaphore_mem>>)
      %dma_wait3A = tpu.memref_slice %arg3[%add3A_14] : memref<12288xf32, #tpu.memory_space<hbm>> -> memref<64xf32, #tpu.memory_space<hbm>>
      %dma_wait3A_22 = tpu.memref_slice %arg3[%add3A_14] : memref<12288xf32, #tpu.memory_space<hbm>> -> memref<64xf32, #tpu.memory_space<hbm>>
      tpu.wait_dma2 semaphore(%run_scoped3A : memref<!tpu.dma_semaphore, #tpu.memory_space<semaphore_mem>>) src(%arg14 : memref<64xf32, #tpu.memory_space<vmem>>) dst(%dma_wait3A_22 : memref<64xf32, #tpu.memory_space<hbm>>)
      tpu.yield
    }) : () -> ()
    %add3A_15 = arith.constant 6144 : i32
    %add3A_16 = arith.addi %add3A_15, %mul3A_2 : i32
    "tpu.region"() ({
      %run_scoped3A = tpu.sem_alloc : memref<!tpu.dma_semaphore, #tpu.memory_space<semaphore_mem>>
      %dma_start3A = tpu.memref_slice %arg3[%add3A_16] : memref<12288xf32, #tpu.memory_space<hbm>> -> memref<64xf32, #tpu.memory_space<hbm>>
      %dma_start3A_21 = tpu.memref_slice %arg3[%add3A_16] : memref<12288xf32, #tpu.memory_space<hbm>> -> memref<64xf32, #tpu.memory_space<hbm>>
      tpu.enqueue_dma source(%arg15 : memref<64xf32, #tpu.memory_space<vmem>>) target(%dma_start3A_21 : memref<64xf32, #tpu.memory_space<hbm>>) target_semaphore(%run_scoped3A : memref<!tpu.dma_semaphore, #tpu.memory_space<semaphore_mem>>)
      %dma_wait3A = tpu.memref_slice %arg3[%add3A_16] : memref<12288xf32, #tpu.memory_space<hbm>> -> memref<64xf32, #tpu.memory_space<hbm>>
      %dma_wait3A_22 = tpu.memref_slice %arg3[%add3A_16] : memref<12288xf32, #tpu.memory_space<hbm>> -> memref<64xf32, #tpu.memory_space<hbm>>
      tpu.wait_dma2 semaphore(%run_scoped3A : memref<!tpu.dma_semaphore, #tpu.memory_space<semaphore_mem>>) src(%arg15 : memref<64xf32, #tpu.memory_space<vmem>>) dst(%dma_wait3A_22 : memref<64xf32, #tpu.memory_space<hbm>>)
      tpu.yield
    }) : () -> ()
    %add3A_17 = arith.constant 8192 : i32
    %add3A_18 = arith.addi %add3A_17, %mul3A_2 : i32
    "tpu.region"() ({
      %run_scoped3A = tpu.sem_alloc : memref<!tpu.dma_semaphore, #tpu.memory_space<semaphore_mem>>
      %dma_start3A = tpu.memref_slice %arg3[%add3A_18] : memref<12288xf32, #tpu.memory_space<hbm>> -> memref<64xf32, #tpu.memory_space<hbm>>
      %dma_start3A_21 = tpu.memref_slice %arg3[%add3A_18] : memref<12288xf32, #tpu.memory_space<hbm>> -> memref<64xf32, #tpu.memory_space<hbm>>
      tpu.enqueue_dma source(%arg16 : memref<64xf32, #tpu.memory_space<vmem>>) target(%dma_start3A_21 : memref<64xf32, #tpu.memory_space<hbm>>) target_semaphore(%run_scoped3A : memref<!tpu.dma_semaphore, #tpu.memory_space<semaphore_mem>>)
      %dma_wait3A = tpu.memref_slice %arg3[%add3A_18] : memref<12288xf32, #tpu.memory_space<hbm>> -> memref<64xf32, #tpu.memory_space<hbm>>
      %dma_wait3A_22 = tpu.memref_slice %arg3[%add3A_18] : memref<12288xf32, #tpu.memory_space<hbm>> -> memref<64xf32, #tpu.memory_space<hbm>>
      tpu.wait_dma2 semaphore(%run_scoped3A : memref<!tpu.dma_semaphore, #tpu.memory_space<semaphore_mem>>) src(%arg16 : memref<64xf32, #tpu.memory_space<vmem>>) dst(%dma_wait3A_22 : memref<64xf32, #tpu.memory_space<hbm>>)
      tpu.yield
    }) : () -> ()
    %add3A_19 = arith.constant 10240 : i32
    %add3A_20 = arith.addi %add3A_19, %mul3A_2 : i32
    "tpu.region"() ({
      %run_scoped3A = tpu.sem_alloc : memref<!tpu.dma_semaphore, #tpu.memory_space<semaphore_mem>>
      %dma_start3A = tpu.memref_slice %arg3[%add3A_20] : memref<12288xf32, #tpu.memory_space<hbm>> -> memref<64xf32, #tpu.memory_space<hbm>>
      %dma_start3A_21 = tpu.memref_slice %arg3[%add3A_20] : memref<12288xf32, #tpu.memory_space<hbm>> -> memref<64xf32, #tpu.memory_space<hbm>>
      tpu.enqueue_dma source(%arg17 : memref<64xf32, #tpu.memory_space<vmem>>) target(%dma_start3A_21 : memref<64xf32, #tpu.memory_space<hbm>>) target_semaphore(%run_scoped3A : memref<!tpu.dma_semaphore, #tpu.memory_space<semaphore_mem>>)
      %dma_wait3A = tpu.memref_slice %arg3[%add3A_20] : memref<12288xf32, #tpu.memory_space<hbm>> -> memref<64xf32, #tpu.memory_space<hbm>>
      %dma_wait3A_22 = tpu.memref_slice %arg3[%add3A_20] : memref<12288xf32, #tpu.memory_space<hbm>> -> memref<64xf32, #tpu.memory_space<hbm>>
      tpu.wait_dma2 semaphore(%run_scoped3A : memref<!tpu.dma_semaphore, #tpu.memory_space<semaphore_mem>>) src(%arg17 : memref<64xf32, #tpu.memory_space<vmem>>) dst(%dma_wait3A_22 : memref<64xf32, #tpu.memory_space<hbm>>)
      tpu.yield
    }) : () -> ()
    return
  }
}

#map = affine_map<(d0, d1) -> (0)>
module attributes {stable_mosaic.version = 14 : i64} {
  func.func @_sc_edge(%arg0: i32, %arg1: i32, %arg2: memref<16384xf32, #tpu.memory_space<hbm>>, %arg3: memref<12288xf32, #tpu.memory_space<hbm>>, %arg4: memref<2048xf32, #tpu.memory_space<vmem>>, %arg5: memref<2048xf32, #tpu.memory_space<vmem>>, %arg6: memref<2048xf32, #tpu.memory_space<vmem>>, %arg7: memref<2048xf32, #tpu.memory_space<vmem>>, %arg8: memref<2048xf32, #tpu.memory_space<vmem>>, %arg9: memref<2048xf32, #tpu.memory_space<vmem>>, %arg10: memref<2048xf32, #tpu.memory_space<vmem>>, %arg11: memref<2048xf32, #tpu.memory_space<vmem>>, %arg12: memref<64xf32, #tpu.memory_space<vmem>>, %arg13: memref<64xf32, #tpu.memory_space<vmem>>, %arg14: memref<64xf32, #tpu.memory_space<vmem>>, %arg15: memref<64xf32, #tpu.memory_space<vmem>>, %arg16: memref<64xf32, #tpu.memory_space<vmem>>, %arg17: memref<64xf32, #tpu.memory_space<vmem>>) attributes {dimension_semantics = [#tpu.dimension_semantics<core_parallel>, #tpu.dimension_semantics<subcore_parallel>], iteration_bounds = array<i64: 2, 16>, scalar_prefetch = 0 : i64, scratch_operands = 14 : i64, tpu.core_type = #tpu.core_type<sc_vector_subcore>, window_params = [{transform_indices = #map}, {transform_indices = #map}]} {
    %mul3A = arith.constant 2 : i32
    %mul3A_0 = arith.muli %arg1, %mul3A : i32
    %add3A = arith.addi %mul3A_0, %arg0 : i32
    %mul3A_1 = arith.constant 64 : i32
    %mul3A_2 = arith.muli %add3A, %mul3A_1 : i32
    "tpu.region"() ({
      %run_scoped3A = tpu.sem_alloc : memref<!tpu.dma_semaphore, #tpu.memory_space<semaphore_mem>>
      %dma_start3A = arith.constant 0 : i32
      %dma_start3A_21 = tpu.memref_slice %arg2[%dma_start3A] : memref<16384xf32, #tpu.memory_space<hbm>> -> memref<2048xf32, #tpu.memory_space<hbm>>
      %dma_start3A_22 = arith.constant 0 : i32
      %dma_start3A_23 = tpu.memref_slice %arg2[%dma_start3A_22] : memref<16384xf32, #tpu.memory_space<hbm>> -> memref<2048xf32, #tpu.memory_space<hbm>>
      tpu.enqueue_dma source(%dma_start3A_23 : memref<2048xf32, #tpu.memory_space<hbm>>) target(%arg4 : memref<2048xf32, #tpu.memory_space<vmem>>) target_semaphore(%run_scoped3A : memref<!tpu.dma_semaphore, #tpu.memory_space<semaphore_mem>>)
      %dma_wait3A = arith.constant 0 : i32
      %dma_wait3A_24 = tpu.memref_slice %arg2[%dma_wait3A] : memref<16384xf32, #tpu.memory_space<hbm>> -> memref<2048xf32, #tpu.memory_space<hbm>>
      %dma_wait3A_25 = arith.constant 0 : i32
      %dma_wait3A_26 = tpu.memref_slice %arg2[%dma_wait3A_25] : memref<16384xf32, #tpu.memory_space<hbm>> -> memref<2048xf32, #tpu.memory_space<hbm>>
      tpu.wait_dma2 semaphore(%run_scoped3A : memref<!tpu.dma_semaphore, #tpu.memory_space<semaphore_mem>>) src(%dma_wait3A_26 : memref<2048xf32, #tpu.memory_space<hbm>>) dst(%arg4 : memref<2048xf32, #tpu.memory_space<vmem>>)
      tpu.yield
    }) : () -> ()
    "tpu.region"() ({
      %run_scoped3A = tpu.sem_alloc : memref<!tpu.dma_semaphore, #tpu.memory_space<semaphore_mem>>
      %dma_start3A = arith.constant 2048 : i32
      %dma_start3A_21 = tpu.memref_slice %arg2[%dma_start3A] : memref<16384xf32, #tpu.memory_space<hbm>> -> memref<2048xf32, #tpu.memory_space<hbm>>
      %dma_start3A_22 = arith.constant 2048 : i32
      %dma_start3A_23 = tpu.memref_slice %arg2[%dma_start3A_22] : memref<16384xf32, #tpu.memory_space<hbm>> -> memref<2048xf32, #tpu.memory_space<hbm>>
      tpu.enqueue_dma source(%dma_start3A_23 : memref<2048xf32, #tpu.memory_space<hbm>>) target(%arg5 : memref<2048xf32, #tpu.memory_space<vmem>>) target_semaphore(%run_scoped3A : memref<!tpu.dma_semaphore, #tpu.memory_space<semaphore_mem>>)
      %dma_wait3A = arith.constant 2048 : i32
      %dma_wait3A_24 = tpu.memref_slice %arg2[%dma_wait3A] : memref<16384xf32, #tpu.memory_space<hbm>> -> memref<2048xf32, #tpu.memory_space<hbm>>
      %dma_wait3A_25 = arith.constant 2048 : i32
      %dma_wait3A_26 = tpu.memref_slice %arg2[%dma_wait3A_25] : memref<16384xf32, #tpu.memory_space<hbm>> -> memref<2048xf32, #tpu.memory_space<hbm>>
      tpu.wait_dma2 semaphore(%run_scoped3A : memref<!tpu.dma_semaphore, #tpu.memory_space<semaphore_mem>>) src(%dma_wait3A_26 : memref<2048xf32, #tpu.memory_space<hbm>>) dst(%arg5 : memref<2048xf32, #tpu.memory_space<vmem>>)
      tpu.yield
    }) : () -> ()
    "tpu.region"() ({
      %run_scoped3A = tpu.sem_alloc : memref<!tpu.dma_semaphore, #tpu.memory_space<semaphore_mem>>
      %dma_start3A = arith.constant 4096 : i32
      %dma_start3A_21 = tpu.memref_slice %arg2[%dma_start3A] : memref<16384xf32, #tpu.memory_space<hbm>> -> memref<2048xf32, #tpu.memory_space<hbm>>
      %dma_start3A_22 = arith.constant 4096 : i32
      %dma_start3A_23 = tpu.memref_slice %arg2[%dma_start3A_22] : memref<16384xf32, #tpu.memory_space<hbm>> -> memref<2048xf32, #tpu.memory_space<hbm>>
      tpu.enqueue_dma source(%dma_start3A_23 : memref<2048xf32, #tpu.memory_space<hbm>>) target(%arg6 : memref<2048xf32, #tpu.memory_space<vmem>>) target_semaphore(%run_scoped3A : memref<!tpu.dma_semaphore, #tpu.memory_space<semaphore_mem>>)
      %dma_wait3A = arith.constant 4096 : i32
      %dma_wait3A_24 = tpu.memref_slice %arg2[%dma_wait3A] : memref<16384xf32, #tpu.memory_space<hbm>> -> memref<2048xf32, #tpu.memory_space<hbm>>
      %dma_wait3A_25 = arith.constant 4096 : i32
      %dma_wait3A_26 = tpu.memref_slice %arg2[%dma_wait3A_25] : memref<16384xf32, #tpu.memory_space<hbm>> -> memref<2048xf32, #tpu.memory_space<hbm>>
      tpu.wait_dma2 semaphore(%run_scoped3A : memref<!tpu.dma_semaphore, #tpu.memory_space<semaphore_mem>>) src(%dma_wait3A_26 : memref<2048xf32, #tpu.memory_space<hbm>>) dst(%arg6 : memref<2048xf32, #tpu.memory_space<vmem>>)
      tpu.yield
    }) : () -> ()
    "tpu.region"() ({
      %run_scoped3A = tpu.sem_alloc : memref<!tpu.dma_semaphore, #tpu.memory_space<semaphore_mem>>
      %dma_start3A = arith.constant 6144 : i32
      %dma_start3A_21 = tpu.memref_slice %arg2[%dma_start3A] : memref<16384xf32, #tpu.memory_space<hbm>> -> memref<2048xf32, #tpu.memory_space<hbm>>
      %dma_start3A_22 = arith.constant 6144 : i32
      %dma_start3A_23 = tpu.memref_slice %arg2[%dma_start3A_22] : memref<16384xf32, #tpu.memory_space<hbm>> -> memref<2048xf32, #tpu.memory_space<hbm>>
      tpu.enqueue_dma source(%dma_start3A_23 : memref<2048xf32, #tpu.memory_space<hbm>>) target(%arg7 : memref<2048xf32, #tpu.memory_space<vmem>>) target_semaphore(%run_scoped3A : memref<!tpu.dma_semaphore, #tpu.memory_space<semaphore_mem>>)
      %dma_wait3A = arith.constant 6144 : i32
      %dma_wait3A_24 = tpu.memref_slice %arg2[%dma_wait3A] : memref<16384xf32, #tpu.memory_space<hbm>> -> memref<2048xf32, #tpu.memory_space<hbm>>
      %dma_wait3A_25 = arith.constant 6144 : i32
      %dma_wait3A_26 = tpu.memref_slice %arg2[%dma_wait3A_25] : memref<16384xf32, #tpu.memory_space<hbm>> -> memref<2048xf32, #tpu.memory_space<hbm>>
      tpu.wait_dma2 semaphore(%run_scoped3A : memref<!tpu.dma_semaphore, #tpu.memory_space<semaphore_mem>>) src(%dma_wait3A_26 : memref<2048xf32, #tpu.memory_space<hbm>>) dst(%arg7 : memref<2048xf32, #tpu.memory_space<vmem>>)
      tpu.yield
    }) : () -> ()
    "tpu.region"() ({
      %run_scoped3A = tpu.sem_alloc : memref<!tpu.dma_semaphore, #tpu.memory_space<semaphore_mem>>
      %dma_start3A = arith.constant 8192 : i32
      %dma_start3A_21 = tpu.memref_slice %arg2[%dma_start3A] : memref<16384xf32, #tpu.memory_space<hbm>> -> memref<2048xf32, #tpu.memory_space<hbm>>
      %dma_start3A_22 = arith.constant 8192 : i32
      %dma_start3A_23 = tpu.memref_slice %arg2[%dma_start3A_22] : memref<16384xf32, #tpu.memory_space<hbm>> -> memref<2048xf32, #tpu.memory_space<hbm>>
      tpu.enqueue_dma source(%dma_start3A_23 : memref<2048xf32, #tpu.memory_space<hbm>>) target(%arg8 : memref<2048xf32, #tpu.memory_space<vmem>>) target_semaphore(%run_scoped3A : memref<!tpu.dma_semaphore, #tpu.memory_space<semaphore_mem>>)
      %dma_wait3A = arith.constant 8192 : i32
      %dma_wait3A_24 = tpu.memref_slice %arg2[%dma_wait3A] : memref<16384xf32, #tpu.memory_space<hbm>> -> memref<2048xf32, #tpu.memory_space<hbm>>
      %dma_wait3A_25 = arith.constant 8192 : i32
      %dma_wait3A_26 = tpu.memref_slice %arg2[%dma_wait3A_25] : memref<16384xf32, #tpu.memory_space<hbm>> -> memref<2048xf32, #tpu.memory_space<hbm>>
      tpu.wait_dma2 semaphore(%run_scoped3A : memref<!tpu.dma_semaphore, #tpu.memory_space<semaphore_mem>>) src(%dma_wait3A_26 : memref<2048xf32, #tpu.memory_space<hbm>>) dst(%arg8 : memref<2048xf32, #tpu.memory_space<vmem>>)
      tpu.yield
    }) : () -> ()
    "tpu.region"() ({
      %run_scoped3A = tpu.sem_alloc : memref<!tpu.dma_semaphore, #tpu.memory_space<semaphore_mem>>
      %dma_start3A = arith.constant 10240 : i32
      %dma_start3A_21 = tpu.memref_slice %arg2[%dma_start3A] : memref<16384xf32, #tpu.memory_space<hbm>> -> memref<2048xf32, #tpu.memory_space<hbm>>
      %dma_start3A_22 = arith.constant 10240 : i32
      %dma_start3A_23 = tpu.memref_slice %arg2[%dma_start3A_22] : memref<16384xf32, #tpu.memory_space<hbm>> -> memref<2048xf32, #tpu.memory_space<hbm>>
      tpu.enqueue_dma source(%dma_start3A_23 : memref<2048xf32, #tpu.memory_space<hbm>>) target(%arg9 : memref<2048xf32, #tpu.memory_space<vmem>>) target_semaphore(%run_scoped3A : memref<!tpu.dma_semaphore, #tpu.memory_space<semaphore_mem>>)
      %dma_wait3A = arith.constant 10240 : i32
      %dma_wait3A_24 = tpu.memref_slice %arg2[%dma_wait3A] : memref<16384xf32, #tpu.memory_space<hbm>> -> memref<2048xf32, #tpu.memory_space<hbm>>
      %dma_wait3A_25 = arith.constant 10240 : i32
      %dma_wait3A_26 = tpu.memref_slice %arg2[%dma_wait3A_25] : memref<16384xf32, #tpu.memory_space<hbm>> -> memref<2048xf32, #tpu.memory_space<hbm>>
      tpu.wait_dma2 semaphore(%run_scoped3A : memref<!tpu.dma_semaphore, #tpu.memory_space<semaphore_mem>>) src(%dma_wait3A_26 : memref<2048xf32, #tpu.memory_space<hbm>>) dst(%arg9 : memref<2048xf32, #tpu.memory_space<vmem>>)
      tpu.yield
    }) : () -> ()
    "tpu.region"() ({
      %run_scoped3A = tpu.sem_alloc : memref<!tpu.dma_semaphore, #tpu.memory_space<semaphore_mem>>
      %dma_start3A = arith.constant 12288 : i32
      %dma_start3A_21 = tpu.memref_slice %arg2[%dma_start3A] : memref<16384xf32, #tpu.memory_space<hbm>> -> memref<2048xf32, #tpu.memory_space<hbm>>
      %dma_start3A_22 = arith.constant 12288 : i32
      %dma_start3A_23 = tpu.memref_slice %arg2[%dma_start3A_22] : memref<16384xf32, #tpu.memory_space<hbm>> -> memref<2048xf32, #tpu.memory_space<hbm>>
      tpu.enqueue_dma source(%dma_start3A_23 : memref<2048xf32, #tpu.memory_space<hbm>>) target(%arg10 : memref<2048xf32, #tpu.memory_space<vmem>>) target_semaphore(%run_scoped3A : memref<!tpu.dma_semaphore, #tpu.memory_space<semaphore_mem>>)
      %dma_wait3A = arith.constant 12288 : i32
      %dma_wait3A_24 = tpu.memref_slice %arg2[%dma_wait3A] : memref<16384xf32, #tpu.memory_space<hbm>> -> memref<2048xf32, #tpu.memory_space<hbm>>
      %dma_wait3A_25 = arith.constant 12288 : i32
      %dma_wait3A_26 = tpu.memref_slice %arg2[%dma_wait3A_25] : memref<16384xf32, #tpu.memory_space<hbm>> -> memref<2048xf32, #tpu.memory_space<hbm>>
      tpu.wait_dma2 semaphore(%run_scoped3A : memref<!tpu.dma_semaphore, #tpu.memory_space<semaphore_mem>>) src(%dma_wait3A_26 : memref<2048xf32, #tpu.memory_space<hbm>>) dst(%arg10 : memref<2048xf32, #tpu.memory_space<vmem>>)
      tpu.yield
    }) : () -> ()
    "tpu.region"() ({
      %run_scoped3A = tpu.sem_alloc : memref<!tpu.dma_semaphore, #tpu.memory_space<semaphore_mem>>
      %dma_start3A = arith.constant 14336 : i32
      %dma_start3A_21 = tpu.memref_slice %arg2[%dma_start3A] : memref<16384xf32, #tpu.memory_space<hbm>> -> memref<2048xf32, #tpu.memory_space<hbm>>
      %dma_start3A_22 = arith.constant 14336 : i32
      %dma_start3A_23 = tpu.memref_slice %arg2[%dma_start3A_22] : memref<16384xf32, #tpu.memory_space<hbm>> -> memref<2048xf32, #tpu.memory_space<hbm>>
      tpu.enqueue_dma source(%dma_start3A_23 : memref<2048xf32, #tpu.memory_space<hbm>>) target(%arg11 : memref<2048xf32, #tpu.memory_space<vmem>>) target_semaphore(%run_scoped3A : memref<!tpu.dma_semaphore, #tpu.memory_space<semaphore_mem>>)
      %dma_wait3A = arith.constant 14336 : i32
      %dma_wait3A_24 = tpu.memref_slice %arg2[%dma_wait3A] : memref<16384xf32, #tpu.memory_space<hbm>> -> memref<2048xf32, #tpu.memory_space<hbm>>
      %dma_wait3A_25 = arith.constant 14336 : i32
      %dma_wait3A_26 = tpu.memref_slice %arg2[%dma_wait3A_25] : memref<16384xf32, #tpu.memory_space<hbm>> -> memref<2048xf32, #tpu.memory_space<hbm>>
      tpu.wait_dma2 semaphore(%run_scoped3A : memref<!tpu.dma_semaphore, #tpu.memory_space<semaphore_mem>>) src(%dma_wait3A_26 : memref<2048xf32, #tpu.memory_space<hbm>>) dst(%arg11 : memref<2048xf32, #tpu.memory_space<vmem>>)
      tpu.yield
    }) : () -> ()
    %iota3A = tpu.iota {dimensions = array<i32: 0>} : vector<16xi32>
    %scan3A = arith.constant 0 : i32
    %scan3A_3 = arith.constant 0 : i32
    %scan3A_4 = arith.constant 4 : i32
    %scan3A_5 = arith.addi %scan3A_3, %scan3A_4 : i32
    %scan3A_6 = arith.constant 1 : i32
    %scan3A_7 = scf.for %scan3A_21 = %scan3A_3 to %scan3A_5 step %scan3A_6 iter_args(%scan3A_22 = %scan3A) -> (i32)  : i32 {
      %broadcast_in_dim3A = arith.constant 0.000000e+00 : f32
      %broadcast_in_dim3A_23 = vector.broadcast %broadcast_in_dim3A : f32 to vector<16xf32>
      %broadcast_in_dim3A_24 = arith.constant 0.000000e+00 : f32
      %broadcast_in_dim3A_25 = vector.broadcast %broadcast_in_dim3A_24 : f32 to vector<16xf32>
      %broadcast_in_dim3A_26 = arith.constant 0.000000e+00 : f32
      %broadcast_in_dim3A_27 = vector.broadcast %broadcast_in_dim3A_26 : f32 to vector<16xf32>
      %broadcast_in_dim3A_28 = arith.constant 0.000000e+00 : f32
      %broadcast_in_dim3A_29 = vector.broadcast %broadcast_in_dim3A_28 : f32 to vector<16xf32>
      %broadcast_in_dim3A_30 = arith.constant 0.000000e+00 : f32
      %broadcast_in_dim3A_31 = vector.broadcast %broadcast_in_dim3A_30 : f32 to vector<16xf32>
      %broadcast_in_dim3A_32 = arith.constant 0.000000e+00 : f32
      %broadcast_in_dim3A_33 = vector.broadcast %broadcast_in_dim3A_32 : f32 to vector<16xf32>
      %scan3A_34 = arith.constant 0 : i32
      %scan3A_35 = arith.constant 16 : i32
      %scan3A_36 = arith.addi %scan3A_34, %scan3A_35 : i32
      %scan3A_37 = arith.constant 1 : i32
      %scan3A_38:6 = scf.for %scan3A_64 = %scan3A_34 to %scan3A_36 step %scan3A_37 iter_args(%scan3A_65 = %broadcast_in_dim3A_23, %scan3A_66 = %broadcast_in_dim3A_25, %scan3A_67 = %broadcast_in_dim3A_27, %scan3A_68 = %broadcast_in_dim3A_29, %scan3A_69 = %broadcast_in_dim3A_31, %scan3A_70 = %broadcast_in_dim3A_33) -> (vector<16xf32>, vector<16xf32>, vector<16xf32>, vector<16xf32>, vector<16xf32>, vector<16xf32>)  : i32 {
        %mul3A_71 = arith.constant 16 : i32
        %mul3A_72 = arith.muli %scan3A_21, %mul3A_71 : i32
        %add3A_73 = arith.addi %mul3A_2, %mul3A_72 : i32
        %add3A_74 = arith.addi %add3A_73, %scan3A_64 : i32
        %broadcast_in_dim3A_75 = vector.broadcast %add3A_74 : i32 to vector<16xi32>
        %gather3A = tpu.vector_load_idx %arg5[%broadcast_in_dim3A_75] : memref<2048xf32, #tpu.memory_space<vmem>>[vector<16xi32>], vector<16xf32>,
        %broadcast_in_dim3A_76 = arith.constant 0.000000e+00 : f32
        %broadcast_in_dim3A_77 = vector.broadcast %broadcast_in_dim3A_76 : f32 to vector<16xf32>
        %broadcast_in_dim3A_78 = arith.constant 0.000000e+00 : f32
        %broadcast_in_dim3A_79 = vector.broadcast %broadcast_in_dim3A_78 : f32 to vector<16xf32>
        %broadcast_in_dim3A_80 = arith.constant 0.000000e+00 : f32
        %broadcast_in_dim3A_81 = vector.broadcast %broadcast_in_dim3A_80 : f32 to vector<16xf32>
        %broadcast_in_dim3A_82 = arith.constant 0.000000e+00 : f32
        %broadcast_in_dim3A_83 = vector.broadcast %broadcast_in_dim3A_82 : f32 to vector<16xf32>
        %broadcast_in_dim3A_84 = arith.constant 0.000000e+00 : f32
        %broadcast_in_dim3A_85 = vector.broadcast %broadcast_in_dim3A_84 : f32 to vector<16xf32>
        %broadcast_in_dim3A_86 = arith.constant 0.000000e+00 : f32
        %broadcast_in_dim3A_87 = vector.broadcast %broadcast_in_dim3A_86 : f32 to vector<16xf32>
        %scan3A_88 = arith.constant 0 : i32
        %scan3A_89 = arith.constant 128 : i32
        %scan3A_90 = arith.addi %scan3A_88, %scan3A_89 : i32
        %scan3A_91 = arith.constant 1 : i32
        %scan3A_92:6 = scf.for %scan3A_129 = %scan3A_88 to %scan3A_90 step %scan3A_91 iter_args(%scan3A_130 = %broadcast_in_dim3A_77, %scan3A_131 = %broadcast_in_dim3A_79, %scan3A_132 = %broadcast_in_dim3A_81, %scan3A_133 = %broadcast_in_dim3A_83, %scan3A_134 = %broadcast_in_dim3A_85, %scan3A_135 = %broadcast_in_dim3A_87) -> (vector<16xf32>, vector<16xf32>, vector<16xf32>, vector<16xf32>, vector<16xf32>, vector<16xf32>)  : i32 {
          %mul3A_136 = arith.constant 16 : i32
          %mul3A_137 = arith.muli %scan3A_129, %mul3A_136 : i32
          %get3A = arith.index_cast %mul3A_137 : i32 to index
          %get3A_138 = tpu.vector_load %arg4[%get3A] {strides = array<i32>} : memref<2048xf32, #tpu.memory_space<vmem>>, vector<16xf32>,
          %le3A = arith.cmpf ole, %get3A_138, %gather3A : vector<16xf32>
          %broadcast_in_dim3A_139 = arith.constant 0.000000e+00 : f32
          %broadcast_in_dim3A_140 = vector.broadcast %broadcast_in_dim3A_139 : f32 to vector<16xf32>
          %get3A_141 = arith.index_cast %mul3A_137 : i32 to index
          %get3A_142 = tpu.vector_load %arg6[%get3A_141] {strides = array<i32>} : memref<2048xf32, #tpu.memory_space<vmem>>, vector<16xf32>,
          %select_n3A_143 = arith.select %le3A, %get3A_142, %broadcast_in_dim3A_140 : vector<16xi1>, vector<16xf32>
          %add3A_144 = arith.addf %scan3A_130, %select_n3A_143 : vector<16xf32>
          %get3A_145 = arith.index_cast %mul3A_137 : i32 to index
          %get3A_146 = tpu.vector_load %arg7[%get3A_145] {strides = array<i32>} : memref<2048xf32, #tpu.memory_space<vmem>>, vector<16xf32>,
          %select_n3A_147 = arith.select %le3A, %get3A_146, %broadcast_in_dim3A_140 : vector<16xi1>, vector<16xf32>
          %add3A_148 = arith.addf %scan3A_131, %select_n3A_147 : vector<16xf32>
          %get3A_149 = arith.index_cast %mul3A_137 : i32 to index
          %get3A_150 = tpu.vector_load %arg8[%get3A_149] {strides = array<i32>} : memref<2048xf32, #tpu.memory_space<vmem>>, vector<16xf32>,
          %select_n3A_151 = arith.select %le3A, %get3A_150, %broadcast_in_dim3A_140 : vector<16xi1>, vector<16xf32>
          %add3A_152 = arith.addf %scan3A_132, %select_n3A_151 : vector<16xf32>
          %get3A_153 = arith.index_cast %mul3A_137 : i32 to index
          %get3A_154 = tpu.vector_load %arg9[%get3A_153] {strides = array<i32>} : memref<2048xf32, #tpu.memory_space<vmem>>, vector<16xf32>,
          %select_n3A_155 = arith.select %le3A, %get3A_154, %broadcast_in_dim3A_140 : vector<16xi1>, vector<16xf32>
          %add3A_156 = arith.addf %scan3A_133, %select_n3A_155 : vector<16xf32>
          %get3A_157 = arith.index_cast %mul3A_137 : i32 to index
          %get3A_158 = tpu.vector_load %arg10[%get3A_157] {strides = array<i32>} : memref<2048xf32, #tpu.memory_space<vmem>>, vector<16xf32>,
          %select_n3A_159 = arith.select %le3A, %get3A_158, %broadcast_in_dim3A_140 : vector<16xi1>, vector<16xf32>
          %add3A_160 = arith.addf %scan3A_134, %select_n3A_159 : vector<16xf32>
          %get3A_161 = arith.index_cast %mul3A_137 : i32 to index
          %get3A_162 = tpu.vector_load %arg11[%get3A_161] {strides = array<i32>} : memref<2048xf32, #tpu.memory_space<vmem>>, vector<16xf32>,
          %select_n3A_163 = arith.select %le3A, %get3A_162, %broadcast_in_dim3A_140 : vector<16xi1>, vector<16xf32>
          %add3A_164 = arith.addf %scan3A_135, %select_n3A_163 : vector<16xf32>
          scf.yield %add3A_144, %add3A_148, %add3A_152, %add3A_156, %add3A_160, %add3A_164 : vector<16xf32>, vector<16xf32>, vector<16xf32>, vector<16xf32>, vector<16xf32>, vector<16xf32>
        }
        %scan3A_93 = arith.constant 128 : i32
        %eq3A = vector.broadcast %scan3A_64 : i32 to vector<16xi32>
        %eq3A_94 = arith.cmpi eq, %iota3A, %eq3A : vector<16xi32>
        %reduce_sum3A = arith.constant true
        %reduce_sum3A_95 = vector.broadcast %reduce_sum3A : i1 to vector<16xi1>
        %reduce_sum3A_96 = tpu.scan <sum>, %scan3A_92#0 masked %reduce_sum3A_95 : vector<16xf32>, vector<16xi1> -> vector<16xf32>
        %reduce_sum3A_97 = vector.extract %reduce_sum3A_96[15] : f32 from vector<16xf32>
        %broadcast_in_dim3A_98 = vector.broadcast %reduce_sum3A_97 : f32 to vector<16xf32>
        %select_n3A = arith.select %eq3A_94, %broadcast_in_dim3A_98, %scan3A_65 : vector<16xi1>, vector<16xf32>
        %reduce_sum3A_99 = arith.constant true
        %reduce_sum3A_100 = vector.broadcast %reduce_sum3A_99 : i1 to vector<16xi1>
        %reduce_sum3A_101 = tpu.scan <sum>, %scan3A_92#1 masked %reduce_sum3A_100 : vector<16xf32>, vector<16xi1> -> vector<16xf32>
        %reduce_sum3A_102 = vector.extract %reduce_sum3A_101[15] : f32 from vector<16xf32>
        %broadcast_in_dim3A_103 = vector.broadcast %reduce_sum3A_102 : f32 to vector<16xf32>
        %select_n3A_104 = arith.select %eq3A_94, %broadcast_in_dim3A_103, %scan3A_66 : vector<16xi1>, vector<16xf32>
        %reduce_sum3A_105 = arith.constant true
        %reduce_sum3A_106 = vector.broadcast %reduce_sum3A_105 : i1 to vector<16xi1>
        %reduce_sum3A_107 = tpu.scan <sum>, %scan3A_92#2 masked %reduce_sum3A_106 : vector<16xf32>, vector<16xi1> -> vector<16xf32>
        %reduce_sum3A_108 = vector.extract %reduce_sum3A_107[15] : f32 from vector<16xf32>
        %broadcast_in_dim3A_109 = vector.broadcast %reduce_sum3A_108 : f32 to vector<16xf32>
        %select_n3A_110 = arith.select %eq3A_94, %broadcast_in_dim3A_109, %scan3A_67 : vector<16xi1>, vector<16xf32>
        %reduce_sum3A_111 = arith.constant true
        %reduce_sum3A_112 = vector.broadcast %reduce_sum3A_111 : i1 to vector<16xi1>
        %reduce_sum3A_113 = tpu.scan <sum>, %scan3A_92#3 masked %reduce_sum3A_112 : vector<16xf32>, vector<16xi1> -> vector<16xf32>
        %reduce_sum3A_114 = vector.extract %reduce_sum3A_113[15] : f32 from vector<16xf32>
        %broadcast_in_dim3A_115 = vector.broadcast %reduce_sum3A_114 : f32 to vector<16xf32>
        %select_n3A_116 = arith.select %eq3A_94, %broadcast_in_dim3A_115, %scan3A_68 : vector<16xi1>, vector<16xf32>
        %reduce_sum3A_117 = arith.constant true
        %reduce_sum3A_118 = vector.broadcast %reduce_sum3A_117 : i1 to vector<16xi1>
        %reduce_sum3A_119 = tpu.scan <sum>, %scan3A_92#4 masked %reduce_sum3A_118 : vector<16xf32>, vector<16xi1> -> vector<16xf32>
        %reduce_sum3A_120 = vector.extract %reduce_sum3A_119[15] : f32 from vector<16xf32>
        %broadcast_in_dim3A_121 = vector.broadcast %reduce_sum3A_120 : f32 to vector<16xf32>
        %select_n3A_122 = arith.select %eq3A_94, %broadcast_in_dim3A_121, %scan3A_69 : vector<16xi1>, vector<16xf32>
        %reduce_sum3A_123 = arith.constant true
        %reduce_sum3A_124 = vector.broadcast %reduce_sum3A_123 : i1 to vector<16xi1>
        %reduce_sum3A_125 = tpu.scan <sum>, %scan3A_92#5 masked %reduce_sum3A_124 : vector<16xf32>, vector<16xi1> -> vector<16xf32>
        %reduce_sum3A_126 = vector.extract %reduce_sum3A_125[15] : f32 from vector<16xf32>
        %broadcast_in_dim3A_127 = vector.broadcast %reduce_sum3A_126 : f32 to vector<16xf32>
        %select_n3A_128 = arith.select %eq3A_94, %broadcast_in_dim3A_127, %scan3A_70 : vector<16xi1>, vector<16xf32>
        scf.yield %select_n3A, %select_n3A_104, %select_n3A_110, %select_n3A_116, %select_n3A_122, %select_n3A_128 : vector<16xf32>, vector<16xf32>, vector<16xf32>, vector<16xf32>, vector<16xf32>, vector<16xf32>
      }
      %scan3A_39 = arith.constant 16 : i32
      %mul3A_40 = arith.constant 16 : i32
      %mul3A_41 = arith.muli %scan3A_21, %mul3A_40 : i32
      %swap3A = arith.index_cast %mul3A_41 : i32 to index
      %swap3A_42 = tpu.vector_load %arg12[%swap3A] {strides = array<i32>} : memref<64xf32, #tpu.memory_space<vmem>>, vector<16xf32>,
      tpu.vector_store %arg12[%swap3A], %scan3A_38#0 {strides = array<i32>} : memref<64xf32, #tpu.memory_space<vmem>>, vector<16xf32>,
      %mul3A_43 = arith.constant 16 : i32
      %mul3A_44 = arith.muli %scan3A_21, %mul3A_43 : i32
      %swap3A_45 = arith.index_cast %mul3A_44 : i32 to index
      %swap3A_46 = tpu.vector_load %arg13[%swap3A_45] {strides = array<i32>} : memref<64xf32, #tpu.memory_space<vmem>>, vector<16xf32>,
      tpu.vector_store %arg13[%swap3A_45], %scan3A_38#1 {strides = array<i32>} : memref<64xf32, #tpu.memory_space<vmem>>, vector<16xf32>,
      %mul3A_47 = arith.constant 16 : i32
      %mul3A_48 = arith.muli %scan3A_21, %mul3A_47 : i32
      %swap3A_49 = arith.index_cast %mul3A_48 : i32 to index
      %swap3A_50 = tpu.vector_load %arg14[%swap3A_49] {strides = array<i32>} : memref<64xf32, #tpu.memory_space<vmem>>, vector<16xf32>,
      tpu.vector_store %arg14[%swap3A_49], %scan3A_38#2 {strides = array<i32>} : memref<64xf32, #tpu.memory_space<vmem>>, vector<16xf32>,
      %mul3A_51 = arith.constant 16 : i32
      %mul3A_52 = arith.muli %scan3A_21, %mul3A_51 : i32
      %swap3A_53 = arith.index_cast %mul3A_52 : i32 to index
      %swap3A_54 = tpu.vector_load %arg15[%swap3A_53] {strides = array<i32>} : memref<64xf32, #tpu.memory_space<vmem>>, vector<16xf32>,
      tpu.vector_store %arg15[%swap3A_53], %scan3A_38#3 {strides = array<i32>} : memref<64xf32, #tpu.memory_space<vmem>>, vector<16xf32>,
      %mul3A_55 = arith.constant 16 : i32
      %mul3A_56 = arith.muli %scan3A_21, %mul3A_55 : i32
      %swap3A_57 = arith.index_cast %mul3A_56 : i32 to index
      %swap3A_58 = tpu.vector_load %arg16[%swap3A_57] {strides = array<i32>} : memref<64xf32, #tpu.memory_space<vmem>>, vector<16xf32>,
      tpu.vector_store %arg16[%swap3A_57], %scan3A_38#4 {strides = array<i32>} : memref<64xf32, #tpu.memory_space<vmem>>, vector<16xf32>,
      %mul3A_59 = arith.constant 16 : i32
      %mul3A_60 = arith.muli %scan3A_21, %mul3A_59 : i32
      %swap3A_61 = arith.index_cast %mul3A_60 : i32 to index
      %swap3A_62 = tpu.vector_load %arg17[%swap3A_61] {strides = array<i32>} : memref<64xf32, #tpu.memory_space<vmem>>, vector<16xf32>,
      tpu.vector_store %arg17[%swap3A_61], %scan3A_38#5 {strides = array<i32>} : memref<64xf32, #tpu.memory_space<vmem>>, vector<16xf32>,
      %scan3A_63 = arith.constant 0 : i32
      scf.yield %scan3A_63 : i32
    }
    %scan3A_8 = arith.constant 4 : i32
    %add3A_9 = arith.constant 0 : i32
    %add3A_10 = arith.addi %add3A_9, %mul3A_2 : i32
    "tpu.region"() ({
      %run_scoped3A = tpu.sem_alloc : memref<!tpu.dma_semaphore, #tpu.memory_space<semaphore_mem>>
      %dma_start3A = tpu.memref_slice %arg3[%add3A_10] : memref<12288xf32, #tpu.memory_space<hbm>> -> memref<64xf32, #tpu.memory_space<hbm>>
      %dma_start3A_21 = tpu.memref_slice %arg3[%add3A_10] : memref<12288xf32, #tpu.memory_space<hbm>> -> memref<64xf32, #tpu.memory_space<hbm>>
      tpu.enqueue_dma source(%arg12 : memref<64xf32, #tpu.memory_space<vmem>>) target(%dma_start3A_21 : memref<64xf32, #tpu.memory_space<hbm>>) target_semaphore(%run_scoped3A : memref<!tpu.dma_semaphore, #tpu.memory_space<semaphore_mem>>)
      %dma_wait3A = tpu.memref_slice %arg3[%add3A_10] : memref<12288xf32, #tpu.memory_space<hbm>> -> memref<64xf32, #tpu.memory_space<hbm>>
      %dma_wait3A_22 = tpu.memref_slice %arg3[%add3A_10] : memref<12288xf32, #tpu.memory_space<hbm>> -> memref<64xf32, #tpu.memory_space<hbm>>
      tpu.wait_dma2 semaphore(%run_scoped3A : memref<!tpu.dma_semaphore, #tpu.memory_space<semaphore_mem>>) src(%arg12 : memref<64xf32, #tpu.memory_space<vmem>>) dst(%dma_wait3A_22 : memref<64xf32, #tpu.memory_space<hbm>>)
      tpu.yield
    }) : () -> ()
    %add3A_11 = arith.constant 2048 : i32
    %add3A_12 = arith.addi %add3A_11, %mul3A_2 : i32
    "tpu.region"() ({
      %run_scoped3A = tpu.sem_alloc : memref<!tpu.dma_semaphore, #tpu.memory_space<semaphore_mem>>
      %dma_start3A = tpu.memref_slice %arg3[%add3A_12] : memref<12288xf32, #tpu.memory_space<hbm>> -> memref<64xf32, #tpu.memory_space<hbm>>
      %dma_start3A_21 = tpu.memref_slice %arg3[%add3A_12] : memref<12288xf32, #tpu.memory_space<hbm>> -> memref<64xf32, #tpu.memory_space<hbm>>
      tpu.enqueue_dma source(%arg13 : memref<64xf32, #tpu.memory_space<vmem>>) target(%dma_start3A_21 : memref<64xf32, #tpu.memory_space<hbm>>) target_semaphore(%run_scoped3A : memref<!tpu.dma_semaphore, #tpu.memory_space<semaphore_mem>>)
      %dma_wait3A = tpu.memref_slice %arg3[%add3A_12] : memref<12288xf32, #tpu.memory_space<hbm>> -> memref<64xf32, #tpu.memory_space<hbm>>
      %dma_wait3A_22 = tpu.memref_slice %arg3[%add3A_12] : memref<12288xf32, #tpu.memory_space<hbm>> -> memref<64xf32, #tpu.memory_space<hbm>>
      tpu.wait_dma2 semaphore(%run_scoped3A : memref<!tpu.dma_semaphore, #tpu.memory_space<semaphore_mem>>) src(%arg13 : memref<64xf32, #tpu.memory_space<vmem>>) dst(%dma_wait3A_22 : memref<64xf32, #tpu.memory_space<hbm>>)
      tpu.yield
    }) : () -> ()
    %add3A_13 = arith.constant 4096 : i32
    %add3A_14 = arith.addi %add3A_13, %mul3A_2 : i32
    "tpu.region"() ({
      %run_scoped3A = tpu.sem_alloc : memref<!tpu.dma_semaphore, #tpu.memory_space<semaphore_mem>>
      %dma_start3A = tpu.memref_slice %arg3[%add3A_14] : memref<12288xf32, #tpu.memory_space<hbm>> -> memref<64xf32, #tpu.memory_space<hbm>>
      %dma_start3A_21 = tpu.memref_slice %arg3[%add3A_14] : memref<12288xf32, #tpu.memory_space<hbm>> -> memref<64xf32, #tpu.memory_space<hbm>>
      tpu.enqueue_dma source(%arg14 : memref<64xf32, #tpu.memory_space<vmem>>) target(%dma_start3A_21 : memref<64xf32, #tpu.memory_space<hbm>>) target_semaphore(%run_scoped3A : memref<!tpu.dma_semaphore, #tpu.memory_space<semaphore_mem>>)
      %dma_wait3A = tpu.memref_slice %arg3[%add3A_14] : memref<12288xf32, #tpu.memory_space<hbm>> -> memref<64xf32, #tpu.memory_space<hbm>>
      %dma_wait3A_22 = tpu.memref_slice %arg3[%add3A_14] : memref<12288xf32, #tpu.memory_space<hbm>> -> memref<64xf32, #tpu.memory_space<hbm>>
      tpu.wait_dma2 semaphore(%run_scoped3A : memref<!tpu.dma_semaphore, #tpu.memory_space<semaphore_mem>>) src(%arg14 : memref<64xf32, #tpu.memory_space<vmem>>) dst(%dma_wait3A_22 : memref<64xf32, #tpu.memory_space<hbm>>)
      tpu.yield
    }) : () -> ()
    %add3A_15 = arith.constant 6144 : i32
    %add3A_16 = arith.addi %add3A_15, %mul3A_2 : i32
    "tpu.region"() ({
      %run_scoped3A = tpu.sem_alloc : memref<!tpu.dma_semaphore, #tpu.memory_space<semaphore_mem>>
      %dma_start3A = tpu.memref_slice %arg3[%add3A_16] : memref<12288xf32, #tpu.memory_space<hbm>> -> memref<64xf32, #tpu.memory_space<hbm>>
      %dma_start3A_21 = tpu.memref_slice %arg3[%add3A_16] : memref<12288xf32, #tpu.memory_space<hbm>> -> memref<64xf32, #tpu.memory_space<hbm>>
      tpu.enqueue_dma source(%arg15 : memref<64xf32, #tpu.memory_space<vmem>>) target(%dma_start3A_21 : memref<64xf32, #tpu.memory_space<hbm>>) target_semaphore(%run_scoped3A : memref<!tpu.dma_semaphore, #tpu.memory_space<semaphore_mem>>)
      %dma_wait3A = tpu.memref_slice %arg3[%add3A_16] : memref<12288xf32, #tpu.memory_space<hbm>> -> memref<64xf32, #tpu.memory_space<hbm>>
      %dma_wait3A_22 = tpu.memref_slice %arg3[%add3A_16] : memref<12288xf32, #tpu.memory_space<hbm>> -> memref<64xf32, #tpu.memory_space<hbm>>
      tpu.wait_dma2 semaphore(%run_scoped3A : memref<!tpu.dma_semaphore, #tpu.memory_space<semaphore_mem>>) src(%arg15 : memref<64xf32, #tpu.memory_space<vmem>>) dst(%dma_wait3A_22 : memref<64xf32, #tpu.memory_space<hbm>>)
      tpu.yield
    }) : () -> ()
    %add3A_17 = arith.constant 8192 : i32
    %add3A_18 = arith.addi %add3A_17, %mul3A_2 : i32
    "tpu.region"() ({
      %run_scoped3A = tpu.sem_alloc : memref<!tpu.dma_semaphore, #tpu.memory_space<semaphore_mem>>
      %dma_start3A = tpu.memref_slice %arg3[%add3A_18] : memref<12288xf32, #tpu.memory_space<hbm>> -> memref<64xf32, #tpu.memory_space<hbm>>
      %dma_start3A_21 = tpu.memref_slice %arg3[%add3A_18] : memref<12288xf32, #tpu.memory_space<hbm>> -> memref<64xf32, #tpu.memory_space<hbm>>
      tpu.enqueue_dma source(%arg16 : memref<64xf32, #tpu.memory_space<vmem>>) target(%dma_start3A_21 : memref<64xf32, #tpu.memory_space<hbm>>) target_semaphore(%run_scoped3A : memref<!tpu.dma_semaphore, #tpu.memory_space<semaphore_mem>>)
      %dma_wait3A = tpu.memref_slice %arg3[%add3A_18] : memref<12288xf32, #tpu.memory_space<hbm>> -> memref<64xf32, #tpu.memory_space<hbm>>
      %dma_wait3A_22 = tpu.memref_slice %arg3[%add3A_18] : memref<12288xf32, #tpu.memory_space<hbm>> -> memref<64xf32, #tpu.memory_space<hbm>>
      tpu.wait_dma2 semaphore(%run_scoped3A : memref<!tpu.dma_semaphore, #tpu.memory_space<semaphore_mem>>) src(%arg16 : memref<64xf32, #tpu.memory_space<vmem>>) dst(%dma_wait3A_22 : memref<64xf32, #tpu.memory_space<hbm>>)
      tpu.yield
    }) : () -> ()
    %add3A_19 = arith.constant 10240 : i32
    %add3A_20 = arith.addi %add3A_19, %mul3A_2 : i32
    "tpu.region"() ({
      %run_scoped3A = tpu.sem_alloc : memref<!tpu.dma_semaphore, #tpu.memory_space<semaphore_mem>>
      %dma_start3A = tpu.memref_slice %arg3[%add3A_20] : memref<12288xf32, #tpu.memory_space<hbm>> -> memref<64xf32, #tpu.memory_space<hbm>>
      %dma_start3A_21 = tpu.memref_slice %arg3[%add3A_20] : memref<12288xf32, #tpu.memory_space<hbm>> -> memref<64xf32, #tpu.memory_space<hbm>>
      tpu.enqueue_dma source(%arg17 : memref<64xf32, #tpu.memory_space<vmem>>) target(%dma_start3A_21 : memref<64xf32, #tpu.memory_space<hbm>>) target_semaphore(%run_scoped3A : memref<!tpu.dma_semaphore, #tpu.memory_space<semaphore_mem>>)
      %dma_wait3A = tpu.memref_slice %arg3[%add3A_20] : memref<12288xf32, #tpu.memory_space<hbm>> -> memref<64xf32, #tpu.memory_space<hbm>>
      %dma_wait3A_22 = tpu.memref_slice %arg3[%add3A_20] : memref<12288xf32, #tpu.memory_space<hbm>> -> memref<64xf32, #tpu.memory_space<hbm>>
      tpu.wait_dma2 semaphore(%run_scoped3A : memref<!tpu.dma_semaphore, #tpu.memory_space<semaphore_mem>>) src(%arg17 : memref<64xf32, #tpu.memory_space<vmem>>) dst(%dma_wait3A_22 : memref<64xf32, #tpu.memory_space<hbm>>)
      tpu.yield
    }) : () -> ()
    return
  }
}

module attributes {stable_mosaic.version = 14 : i64} {
  func.func @_tc_post(%arg0: memref<8x2048xf32, #tpu.memory_space<vmem>>, %arg1: memref<6x2048xf32, #tpu.memory_space<vmem>>, %arg2: memref<1x16xf32, #tpu.memory_space<vmem>>, %arg3: memref<2x2048xf32, #tpu.memory_space<vmem>>) attributes {dimension_semantics = [], scalar_prefetch = 0 : i64, scratch_operands = 0 : i64, tpu.core_type = #tpu.core_type<tc>} {
    %get3A = arith.constant 0 : index
    %get3A_0 = arith.constant 0 : index
    %get3A_1 = vector.load %arg0[%get3A, %get3A_0] : memref<8x2048xf32, #tpu.memory_space<vmem>>, vector<1x2048xf32>
    %get3A_2 = arith.constant 1 : index
    %get3A_3 = arith.constant 0 : index
    %get3A_4 = vector.load %arg0[%get3A_2, %get3A_3] : memref<8x2048xf32, #tpu.memory_space<vmem>>, vector<1x2048xf32>
    %neg3A = arith.constant 0.000000e+00 : f32
    %neg3A_5 = vector.broadcast %neg3A : f32 to vector<1x2048xf32>
    %neg3A_6 = arith.subf %neg3A_5, %get3A_4 : vector<1x2048xf32>
    %reduce_max3A = vector.shape_cast %get3A_1 : vector<1x2048xf32> to vector<1x1x2048xf32>
    %reduce_max3A_7 = arith.constant dense<0xFF800000> : vector<1xf32>
    %reduce_max3A_8 = vector.multi_reduction <maximumf>, %reduce_max3A, %reduce_max3A_7 [1, 2] : vector<1x1x2048xf32> to vector<1xf32>
    %reduce_max3A_9 = vector.shape_cast %reduce_max3A_8 : vector<1xf32> to vector<1x1x1xf32>
    %reduce_max3A_10 = vector.extract %reduce_max3A_9[0, 0, 0] : f32 from vector<1x1x1xf32>
    %get3A_11 = arith.constant 5 : index
    %get3A_12 = arith.constant 0 : index
    %get3A_13 = vector.load %arg0[%get3A_11, %get3A_12] : memref<8x2048xf32, #tpu.memory_space<vmem>>, vector<1x2048xf32>
    %reduce_sum3A = vector.shape_cast %get3A_13 : vector<1x2048xf32> to vector<1x1x2048xf32>
    %reduce_sum3A_14 = arith.constant dense<0.000000e+00> : vector<1xf32>
    %reduce_sum3A_15 = vector.multi_reduction <add>, %reduce_sum3A, %reduce_sum3A_14 [1, 2] : vector<1x1x2048xf32> to vector<1xf32>
    %reduce_sum3A_16 = vector.shape_cast %reduce_sum3A_15 : vector<1xf32> to vector<1x1x1xf32>
    %reduce_sum3A_17 = vector.extract %reduce_sum3A_16[0, 0, 0] : f32 from vector<1x1x1xf32>
    %get3A_18 = arith.constant 6 : index
    %get3A_19 = arith.constant 0 : index
    %get3A_20 = vector.load %arg0[%get3A_18, %get3A_19] : memref<8x2048xf32, #tpu.memory_space<vmem>>, vector<1x2048xf32>
    %reduce_sum3A_21 = vector.shape_cast %get3A_20 : vector<1x2048xf32> to vector<1x1x2048xf32>
    %reduce_sum3A_22 = arith.constant dense<0.000000e+00> : vector<1xf32>
    %reduce_sum3A_23 = vector.multi_reduction <add>, %reduce_sum3A_21, %reduce_sum3A_22 [1, 2] : vector<1x1x2048xf32> to vector<1xf32>
    %reduce_sum3A_24 = vector.shape_cast %reduce_sum3A_23 : vector<1xf32> to vector<1x1x1xf32>
    %reduce_sum3A_25 = vector.extract %reduce_sum3A_24[0, 0, 0] : f32 from vector<1x1x1xf32>
    %get3A_26 = arith.constant 7 : index
    %get3A_27 = arith.constant 0 : index
    %get3A_28 = vector.load %arg0[%get3A_26, %get3A_27] : memref<8x2048xf32, #tpu.memory_space<vmem>>, vector<1x2048xf32>
    %reduce_sum3A_29 = vector.shape_cast %get3A_28 : vector<1x2048xf32> to vector<1x1x2048xf32>
    %reduce_sum3A_30 = arith.constant dense<0.000000e+00> : vector<1xf32>
    %reduce_sum3A_31 = vector.multi_reduction <add>, %reduce_sum3A_29, %reduce_sum3A_30 [1, 2] : vector<1x1x2048xf32> to vector<1xf32>
    %reduce_sum3A_32 = vector.shape_cast %reduce_sum3A_31 : vector<1xf32> to vector<1x1x1xf32>
    %reduce_sum3A_33 = vector.extract %reduce_sum3A_32[0, 0, 0] : f32 from vector<1x1x1xf32>
    %add3A = vector.broadcast %reduce_max3A_10 : f32 to vector<1x2048xf32>
    %add3A_34 = arith.addf %neg3A_6, %add3A : vector<1x2048xf32>
    %mul3A = arith.constant 2.000000e-01 : f32
    %mul3A_35 = vector.broadcast %mul3A : f32 to vector<1x2048xf32>
    %mul3A_36 = arith.mulf %mul3A_35, %add3A_34 : vector<1x2048xf32>
    %max3A = arith.maximumf %mul3A_36, %add3A_34 : vector<1x2048xf32>
    %sub3A = arith.subf %mul3A_36, %max3A : vector<1x2048xf32>
    %exp3A = math.exp %sub3A : vector<1x2048xf32>
    %sub3A_37 = arith.subf %add3A_34, %max3A : vector<1x2048xf32>
    %exp3A_38 = math.exp %sub3A_37 : vector<1x2048xf32>
    %get3A_39 = arith.constant 0 : index
    %get3A_40 = arith.constant 0 : index
    %get3A_41 = vector.load %arg1[%get3A_39, %get3A_40] : memref<6x2048xf32, #tpu.memory_space<vmem>>, vector<1x2048xf32>
    %mul3A_42 = arith.mulf %exp3A, %get3A_41 : vector<1x2048xf32>
    %get3A_43 = arith.constant 3 : index
    %get3A_44 = arith.constant 0 : index
    %get3A_45 = vector.load %arg1[%get3A_43, %get3A_44] : memref<6x2048xf32, #tpu.memory_space<vmem>>, vector<1x2048xf32>
    %sub3A_46 = vector.broadcast %reduce_sum3A_17 : f32 to vector<1x2048xf32>
    %sub3A_47 = arith.subf %sub3A_46, %get3A_45 : vector<1x2048xf32>
    %mul3A_48 = arith.mulf %exp3A_38, %sub3A_47 : vector<1x2048xf32>
    %add3A_49 = arith.addf %mul3A_42, %mul3A_48 : vector<1x2048xf32>
    %get3A_50 = arith.constant 1 : index
    %get3A_51 = arith.constant 0 : index
    %get3A_52 = vector.load %arg1[%get3A_50, %get3A_51] : memref<6x2048xf32, #tpu.memory_space<vmem>>, vector<1x2048xf32>
    %mul3A_53 = arith.mulf %exp3A, %get3A_52 : vector<1x2048xf32>
    %get3A_54 = arith.constant 4 : index
    %get3A_55 = arith.constant 0 : index
    %get3A_56 = vector.load %arg1[%get3A_54, %get3A_55] : memref<6x2048xf32, #tpu.memory_space<vmem>>, vector<1x2048xf32>
    %sub3A_57 = vector.broadcast %reduce_sum3A_25 : f32 to vector<1x2048xf32>
    %sub3A_58 = arith.subf %sub3A_57, %get3A_56 : vector<1x2048xf32>
    %mul3A_59 = arith.mulf %exp3A_38, %sub3A_58 : vector<1x2048xf32>
    %add3A_60 = arith.addf %mul3A_53, %mul3A_59 : vector<1x2048xf32>
    %get3A_61 = arith.constant 2 : index
    %get3A_62 = arith.constant 0 : index
    %get3A_63 = vector.load %arg1[%get3A_61, %get3A_62] : memref<6x2048xf32, #tpu.memory_space<vmem>>, vector<1x2048xf32>
    %mul3A_64 = arith.mulf %exp3A, %get3A_63 : vector<1x2048xf32>
    %get3A_65 = arith.constant 5 : index
    %get3A_66 = arith.constant 0 : index
    %get3A_67 = vector.load %arg1[%get3A_65, %get3A_66] : memref<6x2048xf32, #tpu.memory_space<vmem>>, vector<1x2048xf32>
    %sub3A_68 = vector.broadcast %reduce_sum3A_33 : f32 to vector<1x2048xf32>
    %sub3A_69 = arith.subf %sub3A_68, %get3A_67 : vector<1x2048xf32>
    %mul3A_70 = arith.mulf %exp3A_38, %sub3A_69 : vector<1x2048xf32>
    %add3A_71 = arith.addf %mul3A_64, %mul3A_70 : vector<1x2048xf32>
    %div3A = arith.divf %add3A_60, %add3A_49 : vector<1x2048xf32>
    %get3A_72 = arith.constant 0 : index
    %get3A_73 = arith.constant 8 : index
    %get3A_74 = vector.load %arg2[%get3A_72, %get3A_73] : memref<1x16xf32, #tpu.memory_space<vmem>>, vector<1x1xf32>
    %get3A_75 = vector.extract %get3A_74[0, 0] : f32 from vector<1x1xf32>
    %add3A_76 = vector.broadcast %get3A_75 : f32 to vector<1x2048xf32>
    %add3A_77 = arith.addf %div3A, %add3A_76 : vector<1x2048xf32>
    %swap3A = arith.constant 0 : index
    %swap3A_78 = arith.constant 0 : index
    %swap3A_79 = vector.load %arg3[%swap3A, %swap3A_78] : memref<2x2048xf32, #tpu.memory_space<vmem>>, vector<1x2048xf32>
    tpu.vector_store %arg3[%swap3A, %swap3A_78], %add3A_77 {strides = array<i32>} : memref<2x2048xf32, #tpu.memory_space<vmem>>, vector<1x2048xf32>,
    %div3A_80 = arith.divf %add3A_71, %add3A_49 : vector<1x2048xf32>
    %get3A_81 = arith.constant 0 : index
    %get3A_82 = arith.constant 9 : index
    %get3A_83 = vector.load %arg2[%get3A_81, %get3A_82] : memref<1x16xf32, #tpu.memory_space<vmem>>, vector<1x1xf32>
    %get3A_84 = vector.extract %get3A_83[0, 0] : f32 from vector<1x1xf32>
    %add3A_85 = vector.broadcast %get3A_84 : f32 to vector<1x2048xf32>
    %add3A_86 = arith.addf %div3A_80, %add3A_85 : vector<1x2048xf32>
    %swap3A_87 = arith.constant 1 : index
    %swap3A_88 = arith.constant 0 : index
    %swap3A_89 = vector.load %arg3[%swap3A_87, %swap3A_88] : memref<2x2048xf32, #tpu.memory_space<vmem>>, vector<1x2048xf32>
    tpu.vector_store %arg3[%swap3A_87, %swap3A_88], %add3A_86 {strides = array<i32>} : memref<2x2048xf32, #tpu.memory_space<vmem>>, vector<1x2048xf32>,
    return
  }
}

module attributes {stable_mosaic.version = 14 : i64} {
  func.func @_tc_pre(%arg0: memref<2x2048xf32, #tpu.memory_space<vmem>>, %arg1: memref<1x16xf32, #tpu.memory_space<vmem>>, %arg2: memref<8x2048xf32, #tpu.memory_space<vmem>>) attributes {dimension_semantics = [], scalar_prefetch = 0 : i64, scratch_operands = 0 : i64, tpu.core_type = #tpu.core_type<tc>} {
    %get3A = arith.constant 0 : index
    %get3A_0 = arith.constant 0 : index
    %get3A_1 = vector.load %arg0[%get3A, %get3A_0] : memref<2x2048xf32, #tpu.memory_space<vmem>>, vector<1x2048xf32>
    %get3A_2 = arith.constant 1 : index
    %get3A_3 = arith.constant 0 : index
    %get3A_4 = vector.load %arg0[%get3A_2, %get3A_3] : memref<2x2048xf32, #tpu.memory_space<vmem>>, vector<1x2048xf32>
    %get3A_5 = arith.constant 0 : index
    %get3A_6 = arith.constant 0 : index
    %get3A_7 = vector.load %arg1[%get3A_5, %get3A_6] : memref<1x16xf32, #tpu.memory_space<vmem>>, vector<1x1xf32>
    %get3A_8 = vector.extract %get3A_7[0, 0] : f32 from vector<1x1xf32>
    %mul3A = vector.broadcast %get3A_8 : f32 to vector<1x2048xf32>
    %mul3A_9 = arith.mulf %get3A_1, %mul3A : vector<1x2048xf32>
    %get3A_10 = arith.constant 0 : index
    %get3A_11 = arith.constant 1 : index
    %get3A_12 = vector.load %arg1[%get3A_10, %get3A_11] : memref<1x16xf32, #tpu.memory_space<vmem>>, vector<1x1xf32>
    %get3A_13 = vector.extract %get3A_12[0, 0] : f32 from vector<1x1xf32>
    %mul3A_14 = vector.broadcast %get3A_13 : f32 to vector<1x2048xf32>
    %mul3A_15 = arith.mulf %get3A_4, %mul3A_14 : vector<1x2048xf32>
    %add3A = arith.addf %mul3A_9, %mul3A_15 : vector<1x2048xf32>
    %get3A_16 = arith.constant 0 : index
    %get3A_17 = arith.constant 2 : index
    %get3A_18 = vector.load %arg1[%get3A_16, %get3A_17] : memref<1x16xf32, #tpu.memory_space<vmem>>, vector<1x1xf32>
    %get3A_19 = vector.extract %get3A_18[0, 0] : f32 from vector<1x1xf32>
    %mul3A_20 = vector.broadcast %get3A_19 : f32 to vector<1x2048xf32>
    %mul3A_21 = arith.mulf %get3A_1, %mul3A_20 : vector<1x2048xf32>
    %get3A_22 = arith.constant 0 : index
    %get3A_23 = arith.constant 3 : index
    %get3A_24 = vector.load %arg1[%get3A_22, %get3A_23] : memref<1x16xf32, #tpu.memory_space<vmem>>, vector<1x1xf32>
    %get3A_25 = vector.extract %get3A_24[0, 0] : f32 from vector<1x1xf32>
    %mul3A_26 = vector.broadcast %get3A_25 : f32 to vector<1x2048xf32>
    %mul3A_27 = arith.mulf %get3A_4, %mul3A_26 : vector<1x2048xf32>
    %add3A_28 = arith.addf %mul3A_21, %mul3A_27 : vector<1x2048xf32>
    %get3A_29 = arith.constant 0 : index
    %get3A_30 = arith.constant 4 : index
    %get3A_31 = vector.load %arg1[%get3A_29, %get3A_30] : memref<1x16xf32, #tpu.memory_space<vmem>>, vector<1x1xf32>
    %get3A_32 = vector.extract %get3A_31[0, 0] : f32 from vector<1x1xf32>
    %mul3A_33 = vector.broadcast %get3A_32 : f32 to vector<1x2048xf32>
    %mul3A_34 = arith.mulf %add3A, %mul3A_33 : vector<1x2048xf32>
    %get3A_35 = arith.constant 0 : index
    %get3A_36 = arith.constant 5 : index
    %get3A_37 = vector.load %arg1[%get3A_35, %get3A_36] : memref<1x16xf32, #tpu.memory_space<vmem>>, vector<1x1xf32>
    %get3A_38 = vector.extract %get3A_37[0, 0] : f32 from vector<1x1xf32>
    %mul3A_39 = vector.broadcast %get3A_38 : f32 to vector<1x2048xf32>
    %mul3A_40 = arith.mulf %add3A_28, %mul3A_39 : vector<1x2048xf32>
    %add3A_41 = arith.addf %mul3A_34, %mul3A_40 : vector<1x2048xf32>
    %get3A_42 = arith.constant 0 : index
    %get3A_43 = arith.constant 6 : index
    %get3A_44 = vector.load %arg1[%get3A_42, %get3A_43] : memref<1x16xf32, #tpu.memory_space<vmem>>, vector<1x1xf32>
    %get3A_45 = vector.extract %get3A_44[0, 0] : f32 from vector<1x1xf32>
    %mul3A_46 = vector.broadcast %get3A_45 : f32 to vector<1x2048xf32>
    %mul3A_47 = arith.mulf %add3A, %mul3A_46 : vector<1x2048xf32>
    %get3A_48 = arith.constant 0 : index
    %get3A_49 = arith.constant 7 : index
    %get3A_50 = vector.load %arg1[%get3A_48, %get3A_49] : memref<1x16xf32, #tpu.memory_space<vmem>>, vector<1x1xf32>
    %get3A_51 = vector.extract %get3A_50[0, 0] : f32 from vector<1x1xf32>
    %mul3A_52 = vector.broadcast %get3A_51 : f32 to vector<1x2048xf32>
    %mul3A_53 = arith.mulf %add3A_28, %mul3A_52 : vector<1x2048xf32>
    %add3A_54 = arith.addf %mul3A_47, %mul3A_53 : vector<1x2048xf32>
    %reduce_max3A = vector.shape_cast %add3A_41 : vector<1x2048xf32> to vector<1x1x2048xf32>
    %reduce_max3A_55 = arith.constant dense<0xFF800000> : vector<1xf32>
    %reduce_max3A_56 = vector.multi_reduction <maximumf>, %reduce_max3A, %reduce_max3A_55 [1, 2] : vector<1x1x2048xf32> to vector<1xf32>
    %reduce_max3A_57 = vector.shape_cast %reduce_max3A_56 : vector<1xf32> to vector<1x1x1xf32>
    %reduce_max3A_58 = vector.extract %reduce_max3A_57[0, 0, 0] : f32 from vector<1x1x1xf32>
    %sub3A = vector.broadcast %reduce_max3A_58 : f32 to vector<1x2048xf32>
    %sub3A_59 = arith.subf %add3A_41, %sub3A : vector<1x2048xf32>
    %exp3A = math.exp %sub3A_59 : vector<1x2048xf32>
    %sub3A_60 = vector.broadcast %reduce_max3A_58 : f32 to vector<1x2048xf32>
    %sub3A_61 = arith.subf %add3A_41, %sub3A_60 : vector<1x2048xf32>
    %mul3A_62 = arith.constant 2.000000e-01 : f32
    %mul3A_63 = vector.broadcast %mul3A_62 : f32 to vector<1x2048xf32>
    %mul3A_64 = arith.mulf %mul3A_63, %sub3A_61 : vector<1x2048xf32>
    %exp3A_65 = math.exp %mul3A_64 : vector<1x2048xf32>
    %swap3A = arith.constant 0 : index
    %swap3A_66 = arith.constant 0 : index
    %swap3A_67 = vector.load %arg2[%swap3A, %swap3A_66] : memref<8x2048xf32, #tpu.memory_space<vmem>>, vector<1x2048xf32>
    tpu.vector_store %arg2[%swap3A, %swap3A_66], %add3A_41 {strides = array<i32>} : memref<8x2048xf32, #tpu.memory_space<vmem>>, vector<1x2048xf32>,
    %neg3A = arith.constant 0.000000e+00 : f32
    %neg3A_68 = vector.broadcast %neg3A : f32 to vector<1x2048xf32>
    %neg3A_69 = arith.subf %neg3A_68, %add3A_54 : vector<1x2048xf32>
    %swap3A_70 = arith.constant 1 : index
    %swap3A_71 = arith.constant 0 : index
    %swap3A_72 = vector.load %arg2[%swap3A_70, %swap3A_71] : memref<8x2048xf32, #tpu.memory_space<vmem>>, vector<1x2048xf32>
    tpu.vector_store %arg2[%swap3A_70, %swap3A_71], %neg3A_69 {strides = array<i32>} : memref<8x2048xf32, #tpu.memory_space<vmem>>, vector<1x2048xf32>,
    %swap3A_73 = arith.constant 2 : index
    %swap3A_74 = arith.constant 0 : index
    %swap3A_75 = vector.load %arg2[%swap3A_73, %swap3A_74] : memref<8x2048xf32, #tpu.memory_space<vmem>>, vector<1x2048xf32>
    tpu.vector_store %arg2[%swap3A_73, %swap3A_74], %exp3A_65 {strides = array<i32>} : memref<8x2048xf32, #tpu.memory_space<vmem>>, vector<1x2048xf32>,
    %mul3A_76 = arith.mulf %exp3A_65, %add3A : vector<1x2048xf32>
    %swap3A_77 = arith.constant 3 : index
    %swap3A_78 = arith.constant 0 : index
    %swap3A_79 = vector.load %arg2[%swap3A_77, %swap3A_78] : memref<8x2048xf32, #tpu.memory_space<vmem>>, vector<1x2048xf32>
    tpu.vector_store %arg2[%swap3A_77, %swap3A_78], %mul3A_76 {strides = array<i32>} : memref<8x2048xf32, #tpu.memory_space<vmem>>, vector<1x2048xf32>,
    %mul3A_80 = arith.mulf %exp3A_65, %add3A_28 : vector<1x2048xf32>
    %swap3A_81 = arith.constant 4 : index
    %swap3A_82 = arith.constant 0 : index
    %swap3A_83 = vector.load %arg2[%swap3A_81, %swap3A_82] : memref<8x2048xf32, #tpu.memory_space<vmem>>, vector<1x2048xf32>
    tpu.vector_store %arg2[%swap3A_81, %swap3A_82], %mul3A_80 {strides = array<i32>} : memref<8x2048xf32, #tpu.memory_space<vmem>>, vector<1x2048xf32>,
    %swap3A_84 = arith.constant 5 : index
    %swap3A_85 = arith.constant 0 : index
    %swap3A_86 = vector.load %arg2[%swap3A_84, %swap3A_85] : memref<8x2048xf32, #tpu.memory_space<vmem>>, vector<1x2048xf32>
    tpu.vector_store %arg2[%swap3A_84, %swap3A_85], %exp3A {strides = array<i32>} : memref<8x2048xf32, #tpu.memory_space<vmem>>, vector<1x2048xf32>,
    %mul3A_87 = arith.mulf %exp3A, %add3A : vector<1x2048xf32>
    %swap3A_88 = arith.constant 6 : index
    %swap3A_89 = arith.constant 0 : index
    %swap3A_90 = vector.load %arg2[%swap3A_88, %swap3A_89] : memref<8x2048xf32, #tpu.memory_space<vmem>>, vector<1x2048xf32>
    tpu.vector_store %arg2[%swap3A_88, %swap3A_89], %mul3A_87 {strides = array<i32>} : memref<8x2048xf32, #tpu.memory_space<vmem>>, vector<1x2048xf32>,
    %mul3A_91 = arith.mulf %exp3A, %add3A_28 : vector<1x2048xf32>
    %swap3A_92 = arith.constant 7 : index
    %swap3A_93 = arith.constant 0 : index
    %swap3A_94 = vector.load %arg2[%swap3A_92, %swap3A_93] : memref<8x2048xf32, #tpu.memory_space<vmem>>, vector<1x2048xf32>
    tpu.vector_store %arg2[%swap3A_92, %swap3A_93], %mul3A_91 {strides = array<i32>} : memref<8x2048xf32, #tpu.memory_space<vmem>>, vector<1x2048xf32>,
    return
  }
}

module attributes {stable_mosaic.version = 14 : i64} {
  func.func @_tc_post(%arg0: memref<8x2048xf32, #tpu.memory_space<vmem>>, %arg1: memref<6x2048xf32, #tpu.memory_space<vmem>>, %arg2: memref<1x16xf32, #tpu.memory_space<vmem>>, %arg3: memref<2x2048xf32, #tpu.memory_space<vmem>>) attributes {dimension_semantics = [], scalar_prefetch = 0 : i64, scratch_operands = 0 : i64, tpu.core_type = #tpu.core_type<tc>} {
    %get3A = arith.constant 0 : index
    %get3A_0 = arith.constant 0 : index
    %get3A_1 = vector.load %arg0[%get3A, %get3A_0] : memref<8x2048xf32, #tpu.memory_space<vmem>>, vector<1x2048xf32>
    %get3A_2 = arith.constant 1 : index
    %get3A_3 = arith.constant 0 : index
    %get3A_4 = vector.load %arg0[%get3A_2, %get3A_3] : memref<8x2048xf32, #tpu.memory_space<vmem>>, vector<1x2048xf32>
    %neg3A = arith.constant 0.000000e+00 : f32
    %neg3A_5 = vector.broadcast %neg3A : f32 to vector<1x2048xf32>
    %neg3A_6 = arith.subf %neg3A_5, %get3A_4 : vector<1x2048xf32>
    %reduce_max3A = vector.shape_cast %get3A_1 : vector<1x2048xf32> to vector<1x1x2048xf32>
    %reduce_max3A_7 = arith.constant dense<0xFF800000> : vector<1xf32>
    %reduce_max3A_8 = vector.multi_reduction <maximumf>, %reduce_max3A, %reduce_max3A_7 [1, 2] : vector<1x1x2048xf32> to vector<1xf32>
    %reduce_max3A_9 = vector.shape_cast %reduce_max3A_8 : vector<1xf32> to vector<1x1x1xf32>
    %reduce_max3A_10 = vector.extract %reduce_max3A_9[0, 0, 0] : f32 from vector<1x1x1xf32>
    %get3A_11 = arith.constant 5 : index
    %get3A_12 = arith.constant 0 : index
    %get3A_13 = vector.load %arg0[%get3A_11, %get3A_12] : memref<8x2048xf32, #tpu.memory_space<vmem>>, vector<1x2048xf32>
    %reduce_sum3A = vector.shape_cast %get3A_13 : vector<1x2048xf32> to vector<1x1x2048xf32>
    %reduce_sum3A_14 = arith.constant dense<0.000000e+00> : vector<1xf32>
    %reduce_sum3A_15 = vector.multi_reduction <add>, %reduce_sum3A, %reduce_sum3A_14 [1, 2] : vector<1x1x2048xf32> to vector<1xf32>
    %reduce_sum3A_16 = vector.shape_cast %reduce_sum3A_15 : vector<1xf32> to vector<1x1x1xf32>
    %reduce_sum3A_17 = vector.extract %reduce_sum3A_16[0, 0, 0] : f32 from vector<1x1x1xf32>
    %get3A_18 = arith.constant 6 : index
    %get3A_19 = arith.constant 0 : index
    %get3A_20 = vector.load %arg0[%get3A_18, %get3A_19] : memref<8x2048xf32, #tpu.memory_space<vmem>>, vector<1x2048xf32>
    %reduce_sum3A_21 = vector.shape_cast %get3A_20 : vector<1x2048xf32> to vector<1x1x2048xf32>
    %reduce_sum3A_22 = arith.constant dense<0.000000e+00> : vector<1xf32>
    %reduce_sum3A_23 = vector.multi_reduction <add>, %reduce_sum3A_21, %reduce_sum3A_22 [1, 2] : vector<1x1x2048xf32> to vector<1xf32>
    %reduce_sum3A_24 = vector.shape_cast %reduce_sum3A_23 : vector<1xf32> to vector<1x1x1xf32>
    %reduce_sum3A_25 = vector.extract %reduce_sum3A_24[0, 0, 0] : f32 from vector<1x1x1xf32>
    %get3A_26 = arith.constant 7 : index
    %get3A_27 = arith.constant 0 : index
    %get3A_28 = vector.load %arg0[%get3A_26, %get3A_27] : memref<8x2048xf32, #tpu.memory_space<vmem>>, vector<1x2048xf32>
    %reduce_sum3A_29 = vector.shape_cast %get3A_28 : vector<1x2048xf32> to vector<1x1x2048xf32>
    %reduce_sum3A_30 = arith.constant dense<0.000000e+00> : vector<1xf32>
    %reduce_sum3A_31 = vector.multi_reduction <add>, %reduce_sum3A_29, %reduce_sum3A_30 [1, 2] : vector<1x1x2048xf32> to vector<1xf32>
    %reduce_sum3A_32 = vector.shape_cast %reduce_sum3A_31 : vector<1xf32> to vector<1x1x1xf32>
    %reduce_sum3A_33 = vector.extract %reduce_sum3A_32[0, 0, 0] : f32 from vector<1x1x1xf32>
    %add3A = vector.broadcast %reduce_max3A_10 : f32 to vector<1x2048xf32>
    %add3A_34 = arith.addf %neg3A_6, %add3A : vector<1x2048xf32>
    %mul3A = arith.constant 2.000000e-01 : f32
    %mul3A_35 = vector.broadcast %mul3A : f32 to vector<1x2048xf32>
    %mul3A_36 = arith.mulf %mul3A_35, %add3A_34 : vector<1x2048xf32>
    %max3A = arith.maximumf %mul3A_36, %add3A_34 : vector<1x2048xf32>
    %sub3A = arith.subf %mul3A_36, %max3A : vector<1x2048xf32>
    %exp3A = math.exp %sub3A : vector<1x2048xf32>
    %sub3A_37 = arith.subf %add3A_34, %max3A : vector<1x2048xf32>
    %exp3A_38 = math.exp %sub3A_37 : vector<1x2048xf32>
    %get3A_39 = arith.constant 0 : index
    %get3A_40 = arith.constant 0 : index
    %get3A_41 = vector.load %arg1[%get3A_39, %get3A_40] : memref<6x2048xf32, #tpu.memory_space<vmem>>, vector<1x2048xf32>
    %mul3A_42 = arith.mulf %exp3A, %get3A_41 : vector<1x2048xf32>
    %get3A_43 = arith.constant 3 : index
    %get3A_44 = arith.constant 0 : index
    %get3A_45 = vector.load %arg1[%get3A_43, %get3A_44] : memref<6x2048xf32, #tpu.memory_space<vmem>>, vector<1x2048xf32>
    %sub3A_46 = vector.broadcast %reduce_sum3A_17 : f32 to vector<1x2048xf32>
    %sub3A_47 = arith.subf %sub3A_46, %get3A_45 : vector<1x2048xf32>
    %mul3A_48 = arith.mulf %exp3A_38, %sub3A_47 : vector<1x2048xf32>
    %add3A_49 = arith.addf %mul3A_42, %mul3A_48 : vector<1x2048xf32>
    %get3A_50 = arith.constant 1 : index
    %get3A_51 = arith.constant 0 : index
    %get3A_52 = vector.load %arg1[%get3A_50, %get3A_51] : memref<6x2048xf32, #tpu.memory_space<vmem>>, vector<1x2048xf32>
    %mul3A_53 = arith.mulf %exp3A, %get3A_52 : vector<1x2048xf32>
    %get3A_54 = arith.constant 4 : index
    %get3A_55 = arith.constant 0 : index
    %get3A_56 = vector.load %arg1[%get3A_54, %get3A_55] : memref<6x2048xf32, #tpu.memory_space<vmem>>, vector<1x2048xf32>
    %sub3A_57 = vector.broadcast %reduce_sum3A_25 : f32 to vector<1x2048xf32>
    %sub3A_58 = arith.subf %sub3A_57, %get3A_56 : vector<1x2048xf32>
    %mul3A_59 = arith.mulf %exp3A_38, %sub3A_58 : vector<1x2048xf32>
    %add3A_60 = arith.addf %mul3A_53, %mul3A_59 : vector<1x2048xf32>
    %get3A_61 = arith.constant 2 : index
    %get3A_62 = arith.constant 0 : index
    %get3A_63 = vector.load %arg1[%get3A_61, %get3A_62] : memref<6x2048xf32, #tpu.memory_space<vmem>>, vector<1x2048xf32>
    %mul3A_64 = arith.mulf %exp3A, %get3A_63 : vector<1x2048xf32>
    %get3A_65 = arith.constant 5 : index
    %get3A_66 = arith.constant 0 : index
    %get3A_67 = vector.load %arg1[%get3A_65, %get3A_66] : memref<6x2048xf32, #tpu.memory_space<vmem>>, vector<1x2048xf32>
    %sub3A_68 = vector.broadcast %reduce_sum3A_33 : f32 to vector<1x2048xf32>
    %sub3A_69 = arith.subf %sub3A_68, %get3A_67 : vector<1x2048xf32>
    %mul3A_70 = arith.mulf %exp3A_38, %sub3A_69 : vector<1x2048xf32>
    %add3A_71 = arith.addf %mul3A_64, %mul3A_70 : vector<1x2048xf32>
    %div3A = arith.divf %add3A_60, %add3A_49 : vector<1x2048xf32>
    %get3A_72 = arith.constant 0 : index
    %get3A_73 = arith.constant 8 : index
    %get3A_74 = vector.load %arg2[%get3A_72, %get3A_73] : memref<1x16xf32, #tpu.memory_space<vmem>>, vector<1x1xf32>
    %get3A_75 = vector.extract %get3A_74[0, 0] : f32 from vector<1x1xf32>
    %add3A_76 = vector.broadcast %get3A_75 : f32 to vector<1x2048xf32>
    %add3A_77 = arith.addf %div3A, %add3A_76 : vector<1x2048xf32>
    %swap3A = arith.constant 0 : index
    %swap3A_78 = arith.constant 0 : index
    %swap3A_79 = vector.load %arg3[%swap3A, %swap3A_78] : memref<2x2048xf32, #tpu.memory_space<vmem>>, vector<1x2048xf32>
    tpu.vector_store %arg3[%swap3A, %swap3A_78], %add3A_77 {strides = array<i32>} : memref<2x2048xf32, #tpu.memory_space<vmem>>, vector<1x2048xf32>,
    %div3A_80 = arith.divf %add3A_71, %add3A_49 : vector<1x2048xf32>
    %get3A_81 = arith.constant 0 : index
    %get3A_82 = arith.constant 9 : index
    %get3A_83 = vector.load %arg2[%get3A_81, %get3A_82] : memref<1x16xf32, #tpu.memory_space<vmem>>, vector<1x1xf32>
    %get3A_84 = vector.extract %get3A_83[0, 0] : f32 from vector<1x1xf32>
    %add3A_85 = vector.broadcast %get3A_84 : f32 to vector<1x2048xf32>
    %add3A_86 = arith.addf %div3A_80, %add3A_85 : vector<1x2048xf32>
    %swap3A_87 = arith.constant 1 : index
    %swap3A_88 = arith.constant 0 : index
    %swap3A_89 = vector.load %arg3[%swap3A_87, %swap3A_88] : memref<2x2048xf32, #tpu.memory_space<vmem>>, vector<1x2048xf32>
    tpu.vector_store %arg3[%swap3A_87, %swap3A_88], %add3A_86 {strides = array<i32>} : memref<2x2048xf32, #tpu.memory_space<vmem>>, vector<1x2048xf32>,
    return
  }
}

</mosaic_0001>

<sc_bundles>
// kernel: kernel.11.cloned.1.call-start
scs
__scs_entry_jumppad:
0x0: {  	(pc) =	sbr.rel $0x88, $3  }
0x1: {  	(tag) =	ssettag $0x0;
	lr =	simm.s32 $0x1  }
0x2: {  	[smem:$0x3F98] =	sst lr;
	_ =	strace $0xD0000000  }
0x3: {  	_ = 	snop  }
0x4: {  	_ = 	snop  }
0x5: {  	_ = 	snop  }
0x6: {  	_ = 	snop  }
0x7: {  	_ = 	snop  }
__scs_overlays_trampoline_lowered:
0x8: {  	[smem:$0x3FA7] =	sst s0  }
0x9: {  	[smem:$0x3FA8] =	sst s1  }
0xa: {  	[smem:$0x3FA9] =	sst s2  }
0xb: {  	[smem:$0x3FAA] =	sst s3  }
0xc: {  	[smem:$0x3FAB] =	sst s4  }
0xd: {  	[smem:$0x3FAC] =	sst s5  }
0xe: {  	[smem:$0x3FAD] =	sst s6  }
0xf: {  	[smem:$0x3FAE] =	sst s7  }
0x10: {  	[smem:$0x3FAF] =	sst s8  }
0x11: {  	[smem:$0x3FB0] =	sst s9;
	s0 =	simm.s32 @!p0 $0x0  }
0x12: {  	s1 =	sld [smem:$0x3F96];
	s0 =	simm.s32 @p0 $0x1  }
0x13: {  	[smem:$0x3FB1] =	sst s0;
	s0 =	simm.s32 @!p1 $0x0  }
0x14: {  	s2 =	sld [smem:$0x3F95];
	s0 =	simm.s32 @p1 $0x1  }
0x15: {  	[smem:$0x3FB2] =	sst s0;
	s0 =	simm.s32 @!p2 $0x0  }
0x16: {  	s3 =	sld [smem:$0x3FDB];
	s0 =	simm.s32 @p2 $0x1  }
0x17: {  	s4 =	simm.s32 $0x1BF5;
	[smem:$0x3FB4] =	sst s0  }
0x18: {  	s0 =	sld [smem:$0x3F97];
	_ =	swait.ge [sflag:s4], $0x0  }
0x19: {  	s7 =	sld [smem:$0x3F98]  }
0x1a: {  	s8 =	sadd.s32 $0xFFFFE003, lr  }
0x1b: {  	s9 =	sadd.s32 $0xFFFFFEF7, lr;
	s5 =	simm.s32 $0xFFFFFFFF;
	p2 =	slt.u32 s8, $0xFFFFF086  }
0x1c: {  	p1 =	slt.u32 s9, $0xF7A;
	s5 =	simm.s32 @!p2 $0x0  }
0x1d: {  	s5 =	simm.s32 @p1 $0x1;
	p0 =	seq.s32 s7, s2  }
0x1e: {  	s7 =	smul.u32 @!p0 $0xF7A, s2;
	p2 =	seq.s32 @!p0 s5, $0x0  }
0x1f: {  	s9 =	smul.u32 $0xF7A, s1;
	s8 =	simm.s32 @!p0 $0x1BF5;
	p2 =	por !p2, p0  }
0x20: {  	[sflag:s8] =	ssyncset.s32 @!p0 $0xFFFFF086;
	s6 =	sadd.s32 @!p0 s3, s7;
	s7 =	simm.s32 @!p0 $0x108  }
0x21: {  	s3 =	sadd.s32 s3, s9;
	s6 =	sadd.s32 @!p0 $0x88, s6;
	s7 =	simm.s32 @p2 $0x1082  }
0x22: {  	[simem:s7], [sflag:s8] =	dma.local @!p0 [hbm:s6], $0xF7A  }
0x23: {  	s9 =	sor.u32 $0xD0000000, s2;
	s6 =	simm.s32 $0x108;
	_ =	swait.ge @!p0 [sflag:s8], $0x0  }
0x24: {  	s3 =	sadd.s32 $0x88, s3;
	s6 =	simm.s32 @!p1 $0x1082;
	[sflag:s4] =	ssyncset.s32 $0xFFFFF086  }
0x25: {  	[simem:s6], [sflag:s4] =	dma.local [hbm:s3], $0xF7A  }
0x26: {  	[smem:$0x3F98] =	sst s1;
	(tag) =	ssettag s2;
	_ =	strace s9  }
0x27: {  	s1 =	sld [smem:$0x3FA8]  }
0x28: {  	s2 =	sld [smem:$0x3FA9]  }
0x29: {  	s4 =	sld [smem:$0x3FAB]  }
0x2a: {  	p0 =	seq.s32 s5, $0x0;
	s5 =	sld [smem:$0x3FAC]  }
0x2b: {  	s6 =	sld [smem:$0x3FAD]  }
0x2c: {  	s7 =	sld [smem:$0x3FAE]  }
0x2d: {  	s3 =	simm.s32 $0x108;
	s8 =	sld [smem:$0x3FAF]  }
0x2e: {  	s3 =	simm.s32 @!p0 $0x1082;
	s9 =	sld [smem:$0x3FB0]  }
0x2f: {  	lr =	sadd.s32 s0, s3;
	s0 =	sld [smem:$0x3FA7]  }
0x30: {  	s3 =	sld [smem:$0x3FAA]  }
0x31: {  	[smem:$0x3FB3] =	sst s10  }
0x32: {  	s10 =	sld [smem:$0x3FB1];
	_ =	sdelay $0x3  }
0x33: {  	p0 =	seq.s32 s10, $0x1;
	s10 =	sld [smem:$0x3FB3];
	_ =	sdelay $0x3  }
0x34: {  	[smem:$0x3FB3] =	sst s10  }
0x35: {  	s10 =	sld [smem:$0x3FB2];
	_ =	sdelay $0x3  }
0x36: {  	p1 =	seq.s32 s10, $0x1;
	s10 =	sld [smem:$0x3FB3];
	_ =	sdelay $0x3  }
0x37: {  	[smem:$0x3FB3] =	sst s10  }
0x38: {  	s10 =	sld [smem:$0x3FB4]  }
0x39: {  	_ = 	snop;
	(pc) =	sbr.ind lr, $3  }
0x3a: {  	_ = 	snop  }
0x3b: {  	_ = 	snop  }
0x3c: {  	p2 =	seq.s32 s10, $0x1;
	s10 =	sld [smem:$0x3FB3]  }
0x3d: {  	_ =	shalt  }
0x3e: {  	_ =	shalt  }
0x3f: {  	_ =	shalt  }
0x40: {  	_ =	shalt  }
0x41: {  	_ =	shalt  }
0x42: {  	_ =	shalt  }
0x43: {  	_ =	shalt  }
0x44: {  	_ =	shalt  }
0x45: {  	_ =	shalt  }
0x46: {  	_ =	shalt  }
0x47: {  	_ =	shalt  }
0x48: {  	_ =	shalt  }
0x49: {  	_ =	shalt  }
0x4a: {  	_ =	shalt  }
0x4b: {  	_ =	shalt  }
0x4c: {  	_ =	shalt  }
0x4d: {  	_ =	shalt  }
0x4e: {  	_ =	shalt  }
0x4f: {  	_ =	shalt  }
0x50: {  	_ =	shalt  }
0x51: {  	_ =	shalt  }
0x52: {  	_ =	shalt  }
0x53: {  	_ =	shalt  }
0x54: {  	_ =	shalt  }
0x55: {  	_ =	shalt  }
0x56: {  	_ =	shalt  }
0x57: {  	_ =	shalt  }
0x58: {  	_ =	shalt  }
0x59: {  	_ =	shalt  }
0x5a: {  	_ =	shalt  }
0x5b: {  	_ =	shalt  }
0x5c: {  	_ =	shalt  }
0x5d: {  	_ =	shalt  }
0x5e: {  	_ =	shalt  }
0x5f: {  	_ =	shalt  }
0x60: {  	_ =	shalt  }
0x61: {  	_ =	shalt  }
0x62: {  	_ =	shalt  }
0x63: {  	_ =	shalt  }
0x64: {  	_ =	shalt  }
0x65: {  	_ =	shalt  }
0x66: {  	_ =	shalt  }
0x67: {  	_ =	shalt  }
0x68: {  	_ =	shalt  }
0x69: {  	_ =	shalt  }
0x6a: {  	_ =	shalt  }
0x6b: {  	_ =	shalt  }
0x6c: {  	_ =	shalt  }
0x6d: {  	_ =	shalt  }
0x6e: {  	_ =	shalt  }
0x6f: {  	_ =	shalt  }
0x70: {  	_ =	shalt  }
0x71: {  	_ =	shalt  }
0x72: {  	_ =	shalt  }
0x73: {  	_ =	shalt  }
0x74: {  	_ =	shalt  }
0x75: {  	_ =	shalt  }
0x76: {  	_ =	shalt  }
0x77: {  	_ =	shalt  }
0x78: {  	_ =	shalt  }
0x79: {  	_ =	shalt  }
0x7a: {  	_ =	shalt  }
0x7b: {  	_ =	shalt  }
0x7c: {  	_ =	shalt  }
0x7d: {  	_ =	shalt  }
0x7e: {  	_ =	shalt  }
0x7f: {  	_ =	shalt  }
0x80: {  	_ =	shalt  }
0x81: {  	_ =	shalt  }
0x82: {  	_ =	shalt  }
0x83: {  	_ =	shalt  }
0x84: {  	_ =	shalt  }
0x85: {  	_ =	shalt  }
0x86: {  	_ =	shalt  }
0x87: {  	_ =	shalt  }
.Lfunc_end0:
.L_simem_size_0:
called_computation.1_lowered:
.L_overlay_start_0:
0x88: {  	s2 =	sld [smem:$0x3FD9]  }
0x89: {  	s3 =	sld [smem:$0x3FFE];
	_ =	sdelay $0x1  }
0x8a: {  	s1 =	srdreg.scid  }
0x8b: {  	s0 =	sand.u32 $0x1, s1  }
0x8c: {  	s16 =	sshll.u32 s0, $0xA;
	s2 =	sadd.s32 s3, s2  }
0x8d: {  	s2 =	sadd.s32 s2, s16  }
0x8e: {  	[smem:$0x3FBF] =	sst s2  }
0x8f: {  	_ = 	snop  }
0x90: {  	(tm) =	ssettm $0x1  }
0x91: {  	s17 =	sld [smem:$0x3FFB];
	_ =	sdelay $0x3  }
0x92: {  	_ =	strace s17  }
0x93: {  	s2 =	sld [smem:$0x3FFC];
	_ =	sdelay $0x3  }
0x94: {  	_ =	strace s2  }
0x95: {  	s2 =	sld [smem:$0x3FFD];
	_ =	sdelay $0x3  }
0x96: {  	_ =	strace s2  }
0x97: {  	_ =	strace $0x8FFFFFFF  }
0x98: {  	s18 =	sld [smem:$0x3FDB];
	_ =	sdelay $0x1  }
0x99: {  	s19 =	simm.s32 $_scs_section_size  }
0x9a: {  	s4 =	simm.s32 $_size__tile_overlayer_lowered;
	s5 =	simm.s32 $_tile_overlayer_lowered  }
0x9b: {  	s22 =	simm.s32 $0x1BFF;
	s21 =	sshll.u32 s5, $0x1;
	s2 =	sadd.s32 s19, s18  }
0x9c: {  	s6 =	simm.s32 $0x0;
	s20 =	sshll.u32 s4, $0x1;
	s4 =	sadd.s32 s21, s2  }
0x9d: {  	[timem:s6], [sflag:s22] =	dma.local [hbm:s4], s20  }
0x9e: {  	_ =	swait.ge [sflag:s22], s20  }
0x9f: {  	s3 =	ssub.s32 $0x0, s20;
	[sflag:s22] =	ssyncset.done $0x0  }
0xa0: {  	[sflag:s22] =	ssyncadd.s32 s3;
	_ =	sdelay $0x1  }
0xa1: {  	s23 =	simm.s32 $0x1B8B  }
0xa2: {  	_ =	swait.ge [sflag:s23], $0x1  }
0xa3: {  	[sflag:s23] =	ssyncset.done $0x0  }
0xa4: {  	s25 =	simm.s32 $0x1B8E;
	s24 =	sld [smem:$0x3FFE];
	[sflag:s23] =	ssyncadd.s32 $0xFFFFFFFF  }
0xa5: {  	s26 =	simm.s32 $execute0_lowered;
	[smem:$0x3FD2] =	sst s25  }
0xa6: {  	s4 =	sshll.u32 s26, $0x1;
	_ =	strace $0x80000049;
	[dreg:$0x1] =	wrdreg $0xFFFFFFFF  }
0xa7: {  	s28 =	simm.s32 $_size_execute0_lowered;
	s2 =	sadd.s32 s2, s4;
	[dreg:$0x0] =	wrdreg $0x0  }
0xa8: {  	s4 =	sshll.u32 s28, $0x1;
	[dreg:$0x2] =	wrdreg s2  }
0xa9: {  	[dreg:$0x3] =	wrdreg s4  }
0xaa: {  	[dreg:$0x4] =	wrdreg $0xC0  }
0xab: {  	_ =	task [dreg:s6], $0x5FFFF  }
0xac: {  	[dreg:$0x1] =	wrdreg $0xFFFFFFFF  }
0xad: {  	[dreg:$0x0] =	wrdreg $0x60  }
0xae: {  	[dreg:$0x2] =	wrdreg s24  }
0xaf: {  	[dreg:$0x3] =	wrdreg $0x9  }
0xb0: {  	_ =	task.clear_ibuf [dreg:s6], $0x4FFFF;
	_ =	strace $0x90000049  }
0xb1: {  	s29 =	simm.s32 $0x9;
	_ =	strace $0x8000004B  }
0xb2: {  	_ =	swait.ge [sflag:s29], $0x1  }
0xb3: {  	[sflag:s29] =	ssyncadd.s32 $0xFFFFFFFF  }
0xb4: {  	_ =	strace $0x9000004B  }
0xb5: {  	_ =	sfence  }
0xb6: {  	s30 =	sld [smem:$0x0];
	_ =	sdelay $0x2  }
0xb7: {  	s31 =	sshll.u32 s1, $0xD;
	s1 =	sshrl.u32 s1, $0x2  }
0xb8: {  	s3 =	sand.u32 $0x4000, s31;
	s1 =	sadd.s32 s1, s30  }
0xb9: {  	s0 =	sor.u32 s3, s0;
	s1 =	sshll.u32 s1, $0x11  }
0xba: {  	s0 =	sor.u32 s1, s0  }
0xbb: {  	s0 =	sadd.s32 $0x8F2B, s0  }
0xbc: {  	[sflag:s0] =	ssyncadd.remote.s32 $0x1  }
0xbd: {  	_ =	sfence.sel $0xFFFF  }
0xbe: {  	[dreg:$0x0] =	wrdreg $0xFFFFFFFF;
	(pc) =	sbr.abs _section_cstart, $3  }
0xbf: {  	[dreg:$0x1] =	wrdreg $0xFFFFFFFF  }
0xc0: {  	_ =	task.clear_ibuf [dreg:s6], $0x2FFFF;
	_ =	strace $0x9FFFFFFF  }
0xc1: {  	(tm) =	ssettm $0x7FFFFFFF  }
tec
execute0_lowered:
.L_overlay_start_1:
0x0: {  	(tag) =	ssettag $0x1  }
0x1: {  	s0 =	rddreg [dreg:$0x0];
	s1 =	srdreg.scid  }
0x2: {  	s3 =	stileid.u32;
	s2 =	simm.s32 $0x0;
	s19 =	simm.s32 $0x1  }
0x3: {  	s20 =	simm.s32 $0x800;
	s30 =	simm.s32 $0x4100;
	s31 =	simm.s32 $0x4180  }
0x4: {  	s21 =	simm.s32 $0x0;
	s29 =	simm.s32 $0x0;
	s1 =	sand.u32 $0x1, s1  }
0x5: {  	s3 =	sshll.u32 s3, $0x7;
	[smem:$0x7FF] =	sst s2;
	s6 =	sadd.s32 $0x2000, s0  }
0x6: {  	s7 =	sadd.s32 $0x2100, s0;
	s8 =	sadd.s32 $0x2200, s0;
	s9 =	sadd.s32 $0x2300, s0  }
0x7: {  	s10 =	sadd.s32 $0x2400, s0;
	s11 =	sadd.s32 $0x2500, s0;
	s4 =	sshll.u32 s1, $0x6  }
0x8: {  	_ =	strace $0x8000004A;
	s1 =	ssub.s32 $0x2, s1;
	s3 =	sor.u32 s4, s3  }
0x9: {  	s4 =	sadd.s32 $0x1E00, s0;
	s28 =	sshrl.u32 s1, $0x1;
	s5 =	sshrl.u32 s3, $0x3  }
0xa: {  	s1 =	ssub.s32 s1, s28;
	s17 =	sadd.s32 s5, s0;
	s5 =	sadd.s32 $0x1F00, s0  }
0xb: {  	s18 =	smax.u32 s1, $0x1;
	s0 =	simm.s32 $0x4200;
	s1 =	simm.s32 $0x4280  }
0xc: {  	s12 =	sadd.s32 $0x2600, s17;
	s13 =	sadd.s32 $0x2700, s17;
	s14 =	sadd.s32 $0x2800, s17  }
0xd: {  	v0 =	vlaneseq.u32;
	s15 =	sadd.s32 $0x2900, s17;
	s16 =	sadd.s32 $0x2A00, s17;
	s17 =	sadd.s32 $0x2B00, s17  }
.LBB2_1:
0xe: {  	[tilespmem:s2], [sflag:$0x1] =	stream.linear.gather [hbm4b:s4+s2], $0x800, $0x38;
	[tilespmem:$0x4300] =	vst v63  }
0xf: {  	_ =	swait.ge [sflag:s19], $0x800  }
0x10: {  	[sflag:s19] =	ssyncset.done $0x0  }
0x11: {  	[sflag:s19] =	ssyncadd.s32 $0xFFFFF800  }
0x12: {  	[tilespmem:s20], [sflag:$0x1] =	stream.linear.gather [hbm4b:s5+s2], $0x800, $0x38;
	[tilespmem:$0x4300] =	vst v63  }
0x13: {  	_ =	swait.ge [sflag:s19], $0x800  }
0x14: {  	[sflag:s19] =	ssyncset.done $0x0  }
0x15: {  	s22 =	simm.s32 $0x1000;
	[sflag:s19] =	ssyncadd.s32 $0xFFFFF800  }
0x16: {  	[tilespmem:s22], [sflag:$0x1] =	stream.linear.gather [hbm4b:s6+s2], $0x800, $0x38;
	[tilespmem:$0x4300] =	vst v63  }
0x17: {  	_ =	swait.ge [sflag:s19], $0x800  }
0x18: {  	[sflag:s19] =	ssyncset.done $0x0  }
0x19: {  	s23 =	simm.s32 $0x1800;
	[sflag:s19] =	ssyncadd.s32 $0xFFFFF800  }
0x1a: {  	[tilespmem:s23], [sflag:$0x1] =	stream.linear.gather [hbm4b:s7+s2], $0x800, $0x38;
	[tilespmem:$0x4300] =	vst v63  }
0x1b: {  	_ =	swait.ge [sflag:s19], $0x800  }
0x1c: {  	[sflag:s19] =	ssyncset.done $0x0  }
0x1d: {  	s24 =	simm.s32 $0x2000;
	[sflag:s19] =	ssyncadd.s32 $0xFFFFF800  }
0x1e: {  	[tilespmem:s24], [sflag:$0x1] =	stream.linear.gather [hbm4b:s8+s2], $0x800, $0x38;
	[tilespmem:$0x4300] =	vst v63  }
0x1f: {  	_ =	swait.ge [sflag:s19], $0x800  }
0x20: {  	[sflag:s19] =	ssyncset.done $0x0  }
0x21: {  	s25 =	simm.s32 $0x2800;
	[sflag:s19] =	ssyncadd.s32 $0xFFFFF800  }
0x22: {  	[tilespmem:s25], [sflag:$0x1] =	stream.linear.gather [hbm4b:s9+s2], $0x800, $0x38;
	[tilespmem:$0x4300] =	vst v63  }
0x23: {  	_ =	swait.ge [sflag:s19], $0x800  }
0x24: {  	[sflag:s19] =	ssyncset.done $0x0  }
0x25: {  	s26 =	simm.s32 $0x3000;
	[sflag:s19] =	ssyncadd.s32 $0xFFFFF800  }
0x26: {  	[tilespmem:s26], [sflag:$0x1] =	stream.linear.gather [hbm4b:s10+s2], $0x800, $0x38;
	[tilespmem:$0x4300] =	vst v63  }
0x27: {  	_ =	swait.ge [sflag:s19], $0x800  }
0x28: {  	[sflag:s19] =	ssyncset.done $0x0  }
0x29: {  	s28 =	simm.s32 $0x3800;
	[sflag:s19] =	ssyncadd.s32 $0xFFFFF800  }
0x2a: {  	[tilespmem:s28], [sflag:$0x1] =	stream.linear.gather [hbm4b:s11+s2], $0x800, $0x38;
	[tilespmem:$0x4300] =	vst v63  }
0x2b: {  	_ =	swait.ge [sflag:s19], $0x800  }
0x2c: {  	[sflag:s19] =	ssyncset.done $0x0  }
0x2d: {  	s22 =	simm.s32 $0x0;
	[sflag:s19] =	ssyncadd.s32 $0xFFFFF800  }
.LBB2_2:
0x2e: {  	s23 =	sshll.u32 s22, $0x4;
	v1 =	vimm.f32 $0.0e+00;
	v2 =	vimm.f32 $0.0e+00;
	v3 =	vimm.f32 $0.0e+00  }
0x2f: {  	s25 =	simm.s32 $0x0;
	v4 =	vimm.f32 $0.0e+00;
	v5 =	vimm.f32 $0.0e+00;
	v6 =	vimm.f32 $0.0e+00;
	s24 =	sadd.s32 s3, s23  }
.LBB2_3:
0x30: {  	s26 =	sadd.s32 s24, s25  }
0x31: {  	v7 =	vmov s26;
	_ =	sdelay $0x4  }
0x32: {  	v8 =	vld.idx.msk [tilespmem:v7+s20+$0x0], $0xffff  }
0x33: {  	v7 =	vld [tilespmem:s29+$0x0]  }
0x34: {  	v9 =	vld [tilespmem:s29+$0x3800]  }
0x35: {  	v18 =	vld [tilespmem:s29+$0x1000]  }
0x36: {  	v13 =	vld [tilespmem:s29+$0x1800]  }
0x37: {  	v14 =	vld [tilespmem:s29+$0x2000];
	v15 =	vimm.f32 $0.0e+00;
	v11 =	vimm.f32 $0.0e+00  }
0x38: {  	v16 =	vld [tilespmem:s29+$0x2800];
	v12 =	vimm.f32 $0.0e+00;
	v10 =	vimm.f32 $0.0e+00;
	vm0 =	vle.f32 v7, v8  }
0x39: {  	s28 =	simm.s32 $0x80;
	v19 =	vld [tilespmem:s29+$0x3000];
	s26 =	simm.s32 $0x10;
	v7 =	vimm.f32 $0.0e+00;
	v17 =	vnsel vm0, $0x0, v9;
	v9 =	vimm.f32 $0.0e+00  }
.LBB2_4:
0x3a: {  	p0 =	sne.s32 s28, $0x1FC0;
	v20 =	vld [tilespmem:s26+$0x0];
	v18 =	vnsel vm0, $0x0, v18;
	v7 =	vadd.f32 v17, v7  }
0x3b: {  	v17 =	vld [tilespmem:s26+$0x3800];
	v15 =	vadd.f32 v18, v15;
	v13 =	vnsel vm0, $0x0, v13  }
.Ltmp0:
0x3c: {  	v18 =	vld [tilespmem:s26+$0x1000];
	v11 =	vadd.f32 v13, v11;
	v14 =	vnsel vm0, $0x0, v14;
	(pc) =	sbr.rel @p0 .LBB2_4-.Ltmp0, $4  }
0x3d: {  	v13 =	vld [tilespmem:s26+$0x1800];
	v12 =	vadd.f32 v14, v12;
	v16 =	vnsel vm0, $0x0, v16  }
0x3e: {  	v14 =	vld [tilespmem:s26+$0x2000];
	v10 =	vadd.f32 v16, v10;
	v19 =	vnsel vm0, $0x0, v19  }
0x3f: {  	vm0 =	vle.f32 v20, v8;
	v16 =	vld [tilespmem:s26+$0x2800];
	v9 =	vadd.f32 v19, v9  }
0x40: {  	v19 =	vld [tilespmem:s26+$0x3000];
	s26 =	sshra.s32 s28, $0x2;
	s28 =	sadd.s32 $0x40, s28;
	v17 =	vnsel vm0, $0x0, v17  }
0x41: {  	v20 =	vld [tilespmem:s26+$0x0];
	_ =	sdelay $0x1  }
0x42: {  	v21 =	vld [tilespmem:s26+$0x1000]  }
0x43: {  	v22 =	vld [tilespmem:s26+$0x1800]  }
0x44: {  	v23 =	vld [tilespmem:s26+$0x2000]  }
0x45: {  	v18 =	vnsel vm0, $0x0, v18;
	v13 =	vnsel vm0, $0x0, v13;
	vm1 =	vle.f32 v20, v8;
	v8 =	vld [tilespmem:s26+$0x2800]  }
0x46: {  	v51 =	vld [tilespmem:s26+$0x3000];
	v15 =	vadd.f32 v18, v15;
	v14 =	vnsel vm0, $0x0, v14;
	v11 =	vadd.f32 v13, v11  }
0x47: {  	v52 =	vld [tilespmem:s26+$0x3800];
	v16 =	vnsel vm0, $0x0, v16;
	v12 =	vadd.f32 v14, v12;
	v20 =	vnsel vm1, $0x0, v21  }
0x48: {  	v19 =	vnsel vm0, $0x0, v19;
	v54 =	vnsel vm1, $0x0, v22;
	v53 =	vadd.f32 v20, v15  }
0x49: {  	v10 =	vadd.f32 v16, v10;
	v55 =	vnsel vm1, $0x0, v23;
	v11 =	vadd.f32 v54, v11  }
0x4a: {  	v9 =	vadd.f32 v19, v9;
	v12 =	vadd.f32 v55, v12;
	(xrf2) =	vadd.scan.msk.f32 $0xffff, v53;
	v8 =	vnsel vm1, $0x0, v8  }
0x4b: {  	v7 =	vadd.f32 v17, v7;
	v56 =	vnsel vm1, $0x0, v51;
	(xrf2) =	vadd.scan.msk.f32 $0xffff, v11;
	v8 =	vadd.f32 v8, v10  }
0x4c: {  	v57 =	vnsel vm1, $0x0, v52;
	v9 =	vadd.f32 v56, v9;
	(xrf2) =	vadd.scan.msk.f32 $0xffff, v12  }
0x4d: {  	v7 =	vadd.f32 v57, v7;
	(xrf2) =	vadd.scan.msk.f32 $0xffff, v8  }
0x4e: {  	(xrf2) =	vadd.scan.msk.f32 $0xffff, v9  }
0x4f: {  	(xrf2) =	vadd.scan.msk.f32 $0xffff, v7;
	_ =	sdelay $0x4  }
0x50: {  	v7, _, _ =	vpop (xrf2)  }
0x51: {  	v8, _, _ =	vpop (xrf2)  }
0x52: {  	v61 =	vmov s25;
	s25 =	sadd.s32 $0x1, s25;
	v58, _, _ =	vpop (xrf2)  }
0x53: {  	p0 =	sne.s32 s25, $0x10;
	v59, _, _ =	vpop (xrf2)  }
.Ltmp1:
0x54: {  	v7 =	vbroadcast v7, $0xF;
	v8 =	vbroadcast v8, $0xF;
	v60, _, _ =	vpop (xrf2);
	(pc) =	sbr.rel @p0 .LBB2_3-.Ltmp1, $4  }
0x55: {  	v9 =	vbroadcast v58, $0xF;
	v10 =	vbroadcast v59, $0xF;
	v62, _, _ =	vpop (xrf2)  }
0x56: {  	vm15 =	veq.s32 v61, v0;
	v11 =	vbroadcast v60, $0xF;
	v63 =	vbroadcast v62, $0xF  }
0x57: {  	v6 =	vsel vm15, v7, v6;
	v5 =	vsel vm15, v8, v5;
	v4 =	vsel vm15, v9, v4  }
0x58: {  	v3 =	vsel vm15, v10, v3;
	v2 =	vsel vm15, v11, v2;
	v1 =	vsel vm15, v63, v1  }
0x59: {  	s22 =	sadd.s32 $0x1, s22  }
0x5a: {  	[tilespmem:s23+$0x4000] =	vst v6;
	p0 =	sne.s32 s22, $0x4  }
.Ltmp2:
0x5b: {  	[tilespmem:s23+$0x4080] =	vst v5;
	(pc) =	sbr.rel @p0 .LBB2_2-.Ltmp2, $4  }
0x5c: {  	[tilespmem:s23+$0x4100] =	vst v4  }
0x5d: {  	[tilespmem:s23+$0x4180] =	vst v3  }
0x5e: {  	[tilespmem:s23+$0x4200] =	vst v2  }
0x5f: {  	[tilespmem:s23+$0x4280] =	vst v1  }
0x60: {  	s22 =	simm.s32 $0x4000  }
0x61: {  	[hbm4b:s12+s2] =	stream.linear.scatter [tilespmem:s22], [sflag:$0x1], $0x40, $0x38;
	[tilespmem:$0x4300] =	vst v63  }
0x62: {  	_ =	swait.ge [sflag:s19], $0x40  }
0x63: {  	[sflag:s19] =	ssyncset.done $0x0  }
0x64: {  	s28 =	simm.s32 $0x4080;
	[sflag:s19] =	ssyncadd.s32 $0xFFFFFFC0  }
0x65: {  	[hbm4b:s13+s2] =	stream.linear.scatter [tilespmem:s28], [sflag:$0x1], $0x40, $0x38;
	[tilespmem:$0x4300] =	vst v63  }
0x66: {  	_ =	swait.ge [sflag:s19], $0x40  }
0x67: {  	[sflag:s19] =	ssyncset.done $0x0  }
0x68: {  	[sflag:s19] =	ssyncadd.s32 $0xFFFFFFC0  }
0x69: {  	[hbm4b:s14+s2] =	stream.linear.scatter [tilespmem:s30], [sflag:$0x1], $0x40, $0x38;
	[tilespmem:$0x4300] =	vst v63  }
0x6a: {  	_ =	swait.ge [sflag:s19], $0x40  }
0x6b: {  	[sflag:s19] =	ssyncset.done $0x0  }
0x6c: {  	[sflag:s19] =	ssyncadd.s32 $0xFFFFFFC0  }
0x6d: {  	[hbm4b:s15+s2] =	stream.linear.scatter [tilespmem:s31], [sflag:$0x1], $0x40, $0x38;
	[tilespmem:$0x4300] =	vst v63  }
0x6e: {  	_ =	swait.ge [sflag:s19], $0x40  }
0x6f: {  	[sflag:s19] =	ssyncset.done $0x0  }
0x70: {  	[sflag:s19] =	ssyncadd.s32 $0xFFFFFFC0  }
0x71: {  	[hbm4b:s16+s2] =	stream.linear.scatter [tilespmem:s0], [sflag:$0x1], $0x40, $0x38;
	[tilespmem:$0x4300] =	vst v63  }
0x72: {  	s21 =	sadd.s32 $0x1, s21;
	_ =	swait.ge [sflag:s19], $0x40  }
0x73: {  	p0 =	sne.s32 s21, s18;
	[sflag:s19] =	ssyncset.done $0x0  }
.Ltmp3:
0x74: {  	[sflag:s19] =	ssyncadd.s32 $0xFFFFFFC0;
	(pc) =	sbr.rel @p0 .LBB2_1-.Ltmp3, $4  }
0x75: {  	[hbm4b:s17+s2] =	stream.linear.scatter [tilespmem:s1], [sflag:$0x1], $0x40, $0x38;
	[tilespmem:$0x4300] =	vst v63  }
0x76: {  	_ =	swait.ge [sflag:s19], $0x40  }
0x77: {  	[sflag:s19] =	ssyncset.done $0x0  }
0x78: {  	[sflag:s19] =	ssyncadd.s32 $0xFFFFFFC0  }
0x79: {  	_ =	sfence.sel $0x180000  }
0x7a: {  	[bflag:$0x0] =	sbarrier.arrive $0xFFFF  }
0x7b: {  	_ =	strace $0x9000004A  }
0x7c: {  	s0 =	stileid.u32;
	[bflag:$0x2] =	sbarrier.arrive $0xFFFF  }
0x7d: {  	p0 =	sne.s32 s0, $0x0;
	s0 =	rddreg [dreg:$0x1]  }
0x7e: {  	s0 =	sadd.s32 @!p0 $0x100000, s0  }
0x7f: {  	[sflag:s0] =	ssyncadd.tile.s32 @!p0 $0x1;
	_ =	shalt  }
.Lfunc_end2:
_tile_overlayer_lowered:
.L_overlay_start_2:
0x80: {  	(tag) =	ssettag $0x2  }
0x81: {  	s0 =	rddreg [dreg:$0x0];
	s2 =	stileid.u32  }
0x82: {  	s1 =	rddreg [dreg:$0x1];
	p0 =	sne.s32 s2, $0x0  }
0x83: {  	s3 =	rddreg [dreg:$0x2];
	[bflag:$0x3] =	sbarrier.arrive $0xFFFF;
	s2 =	simm.s32 @!p0 $0x1C01  }
0x84: {  	[timem:s3], [sflag:s2] =	dma.local @!p0 [hbm:s0], s1  }
0x85: {  	s0 =	simm.s32 @!p0 $0x1  }
0x86: {  	_ =	swait.ge @!p0 [sflag:s0], s1  }
0x87: {  	s1 =	ssub.s32 @!p0 $0x0, s1;
	[sflag:s0] =	ssyncset.done @!p0 $0x0  }
0x88: {  	[sflag:s0] =	ssyncadd.s32 @!p0 s1  }
0x89: {  	[bflag:$0x3] =	sbarrier.arrive $0xFFFF  }
0x8a: {  	_ =	shalt  }

// kernel: kernel.8.cloned.1.call-start
scs
__scs_entry_jumppad:
0x0: {  	(pc) =	sbr.rel $0x88, $3  }
0x1: {  	(tag) =	ssettag $0x0;
	lr =	simm.s32 $0x1  }
0x2: {  	[smem:$0x3F98] =	sst lr;
	_ =	strace $0xD0000000  }
0x3: {  	_ = 	snop  }
0x4: {  	_ = 	snop  }
0x5: {  	_ = 	snop  }
0x6: {  	_ = 	snop  }
0x7: {  	_ = 	snop  }
__scs_overlays_trampoline_lowered:
0x8: {  	[smem:$0x3FA7] =	sst s0  }
0x9: {  	[smem:$0x3FA8] =	sst s1  }
0xa: {  	[smem:$0x3FA9] =	sst s2  }
0xb: {  	[smem:$0x3FAA] =	sst s3  }
0xc: {  	[smem:$0x3FAB] =	sst s4  }
0xd: {  	[smem:$0x3FAC] =	sst s5  }
0xe: {  	[smem:$0x3FAD] =	sst s6  }
0xf: {  	[smem:$0x3FAE] =	sst s7  }
0x10: {  	[smem:$0x3FAF] =	sst s8  }
0x11: {  	[smem:$0x3FB0] =	sst s9;
	s0 =	simm.s32 @!p0 $0x0  }
0x12: {  	s1 =	sld [smem:$0x3F96];
	s0 =	simm.s32 @p0 $0x1  }
0x13: {  	[smem:$0x3FB1] =	sst s0;
	s0 =	simm.s32 @!p1 $0x0  }
0x14: {  	s2 =	sld [smem:$0x3F95];
	s0 =	simm.s32 @p1 $0x1  }
0x15: {  	[smem:$0x3FB2] =	sst s0;
	s0 =	simm.s32 @!p2 $0x0  }
0x16: {  	s3 =	sld [smem:$0x3FDB];
	s0 =	simm.s32 @p2 $0x1  }
0x17: {  	s4 =	simm.s32 $0x1BF5;
	[smem:$0x3FB4] =	sst s0  }
0x18: {  	s0 =	sld [smem:$0x3F97];
	_ =	swait.ge [sflag:s4], $0x0  }
0x19: {  	s7 =	sld [smem:$0x3F98]  }
0x1a: {  	s8 =	sadd.s32 $0xFFFFE003, lr  }
0x1b: {  	s9 =	sadd.s32 $0xFFFFFEF7, lr;
	s5 =	simm.s32 $0xFFFFFFFF;
	p2 =	slt.u32 s8, $0xFFFFF086  }
0x1c: {  	p1 =	slt.u32 s9, $0xF7A;
	s5 =	simm.s32 @!p2 $0x0  }
0x1d: {  	s5 =	simm.s32 @p1 $0x1;
	p0 =	seq.s32 s7, s2  }
0x1e: {  	s7 =	smul.u32 @!p0 $0xF7A, s2;
	p2 =	seq.s32 @!p0 s5, $0x0  }
0x1f: {  	s9 =	smul.u32 $0xF7A, s1;
	s8 =	simm.s32 @!p0 $0x1BF5;
	p2 =	por !p2, p0  }
0x20: {  	[sflag:s8] =	ssyncset.s32 @!p0 $0xFFFFF086;
	s6 =	sadd.s32 @!p0 s3, s7;
	s7 =	simm.s32 @!p0 $0x108  }
0x21: {  	s3 =	sadd.s32 s3, s9;
	s6 =	sadd.s32 @!p0 $0x88, s6;
	s7 =	simm.s32 @p2 $0x1082  }
0x22: {  	[simem:s7], [sflag:s8] =	dma.local @!p0 [hbm:s6], $0xF7A  }
0x23: {  	s9 =	sor.u32 $0xD0000000, s2;
	s6 =	simm.s32 $0x108;
	_ =	swait.ge @!p0 [sflag:s8], $0x0  }
0x24: {  	s3 =	sadd.s32 $0x88, s3;
	s6 =	simm.s32 @!p1 $0x1082;
	[sflag:s4] =	ssyncset.s32 $0xFFFFF086  }
0x25: {  	[simem:s6], [sflag:s4] =	dma.local [hbm:s3], $0xF7A  }
0x26: {  	[smem:$0x3F98] =	sst s1;
	(tag) =	ssettag s2;
	_ =	strace s9  }
0x27: {  	s1 =	sld [smem:$0x3FA8]  }
0x28: {  	s2 =	sld [smem:$0x3FA9]  }
0x29: {  	s4 =	sld [smem:$0x3FAB]  }
0x2a: {  	p0 =	seq.s32 s5, $0x0;
	s5 =	sld [smem:$0x3FAC]  }
0x2b: {  	s6 =	sld [smem:$0x3FAD]  }
0x2c: {  	s7 =	sld [smem:$0x3FAE]  }
0x2d: {  	s3 =	simm.s32 $0x108;
	s8 =	sld [smem:$0x3FAF]  }
0x2e: {  	s3 =	simm.s32 @!p0 $0x1082;
	s9 =	sld [smem:$0x3FB0]  }
0x2f: {  	lr =	sadd.s32 s0, s3;
	s0 =	sld [smem:$0x3FA7]  }
0x30: {  	s3 =	sld [smem:$0x3FAA]  }
0x31: {  	[smem:$0x3FB3] =	sst s10  }
0x32: {  	s10 =	sld [smem:$0x3FB1];
	_ =	sdelay $0x3  }
0x33: {  	p0 =	seq.s32 s10, $0x1;
	s10 =	sld [smem:$0x3FB3];
	_ =	sdelay $0x3  }
0x34: {  	[smem:$0x3FB3] =	sst s10  }
0x35: {  	s10 =	sld [smem:$0x3FB2];
	_ =	sdelay $0x3  }
0x36: {  	p1 =	seq.s32 s10, $0x1;
	s10 =	sld [smem:$0x3FB3];
	_ =	sdelay $0x3  }
0x37: {  	[smem:$0x3FB3] =	sst s10  }
0x38: {  	s10 =	sld [smem:$0x3FB4]  }
0x39: {  	_ = 	snop;
	(pc) =	sbr.ind lr, $3  }
0x3a: {  	_ = 	snop  }
0x3b: {  	_ = 	snop  }
0x3c: {  	p2 =	seq.s32 s10, $0x1;
	s10 =	sld [smem:$0x3FB3]  }
0x3d: {  	_ =	shalt  }
0x3e: {  	_ =	shalt  }
0x3f: {  	_ =	shalt  }
0x40: {  	_ =	shalt  }
0x41: {  	_ =	shalt  }
0x42: {  	_ =	shalt  }
0x43: {  	_ =	shalt  }
0x44: {  	_ =	shalt  }
0x45: {  	_ =	shalt  }
0x46: {  	_ =	shalt  }
0x47: {  	_ =	shalt  }
0x48: {  	_ =	shalt  }
0x49: {  	_ =	shalt  }
0x4a: {  	_ =	shalt  }
0x4b: {  	_ =	shalt  }
0x4c: {  	_ =	shalt  }
0x4d: {  	_ =	shalt  }
0x4e: {  	_ =	shalt  }
0x4f: {  	_ =	shalt  }
0x50: {  	_ =	shalt  }
0x51: {  	_ =	shalt  }
0x52: {  	_ =	shalt  }
0x53: {  	_ =	shalt  }
0x54: {  	_ =	shalt  }
0x55: {  	_ =	shalt  }
0x56: {  	_ =	shalt  }
0x57: {  	_ =	shalt  }
0x58: {  	_ =	shalt  }
0x59: {  	_ =	shalt  }
0x5a: {  	_ =	shalt  }
0x5b: {  	_ =	shalt  }
0x5c: {  	_ =	shalt  }
0x5d: {  	_ =	shalt  }
0x5e: {  	_ =	shalt  }
0x5f: {  	_ =	shalt  }
0x60: {  	_ =	shalt  }
0x61: {  	_ =	shalt  }
0x62: {  	_ =	shalt  }
0x63: {  	_ =	shalt  }
0x64: {  	_ =	shalt  }
0x65: {  	_ =	shalt  }
0x66: {  	_ =	shalt  }
0x67: {  	_ =	shalt  }
0x68: {  	_ =	shalt  }
0x69: {  	_ =	shalt  }
0x6a: {  	_ =	shalt  }
0x6b: {  	_ =	shalt  }
0x6c: {  	_ =	shalt  }
0x6d: {  	_ =	shalt  }
0x6e: {  	_ =	shalt  }
0x6f: {  	_ =	shalt  }
0x70: {  	_ =	shalt  }
0x71: {  	_ =	shalt  }
0x72: {  	_ =	shalt  }
0x73: {  	_ =	shalt  }
0x74: {  	_ =	shalt  }
0x75: {  	_ =	shalt  }
0x76: {  	_ =	shalt  }
0x77: {  	_ =	shalt  }
0x78: {  	_ =	shalt  }
0x79: {  	_ =	shalt  }
0x7a: {  	_ =	shalt  }
0x7b: {  	_ =	shalt  }
0x7c: {  	_ =	shalt  }
0x7d: {  	_ =	shalt  }
0x7e: {  	_ =	shalt  }
0x7f: {  	_ =	shalt  }
0x80: {  	_ =	shalt  }
0x81: {  	_ =	shalt  }
0x82: {  	_ =	shalt  }
0x83: {  	_ =	shalt  }
0x84: {  	_ =	shalt  }
0x85: {  	_ =	shalt  }
0x86: {  	_ =	shalt  }
0x87: {  	_ =	shalt  }
.Lfunc_end0:
.L_simem_size_0:
called_computation_lowered:
.L_overlay_start_0:
0x88: {  	s2 =	sld [smem:$0x3FD9]  }
0x89: {  	s3 =	sld [smem:$0x3FFE];
	_ =	sdelay $0x1  }
0x8a: {  	s1 =	srdreg.scid  }
0x8b: {  	s0 =	sand.u32 $0x1, s1  }
0x8c: {  	s16 =	sshll.u32 s0, $0xA;
	s2 =	sadd.s32 s3, s2  }
0x8d: {  	s2 =	sadd.s32 s2, s16  }
0x8e: {  	[smem:$0x3FBF] =	sst s2  }
0x8f: {  	_ = 	snop  }
0x90: {  	(tm) =	ssettm $0x1  }
0x91: {  	s17 =	sld [smem:$0x3FFB];
	_ =	sdelay $0x3  }
0x92: {  	_ =	strace s17  }
0x93: {  	s2 =	sld [smem:$0x3FFC];
	_ =	sdelay $0x3  }
0x94: {  	_ =	strace s2  }
0x95: {  	s2 =	sld [smem:$0x3FFD];
	_ =	sdelay $0x3  }
0x96: {  	_ =	strace s2  }
0x97: {  	_ =	strace $0x8FFFFFFF  }
0x98: {  	s18 =	sld [smem:$0x3FDB];
	_ =	sdelay $0x1  }
0x99: {  	s19 =	simm.s32 $_scs_section_size  }
0x9a: {  	s4 =	simm.s32 $_size__tile_overlayer_lowered;
	s5 =	simm.s32 $_tile_overlayer_lowered  }
0x9b: {  	s22 =	simm.s32 $0x1BFF;
	s21 =	sshll.u32 s5, $0x1;
	s2 =	sadd.s32 s19, s18  }
0x9c: {  	s6 =	simm.s32 $0x0;
	s20 =	sshll.u32 s4, $0x1;
	s4 =	sadd.s32 s21, s2  }
0x9d: {  	[timem:s6], [sflag:s22] =	dma.local [hbm:s4], s20  }
0x9e: {  	_ =	swait.ge [sflag:s22], s20  }
0x9f: {  	s3 =	ssub.s32 $0x0, s20;
	[sflag:s22] =	ssyncset.done $0x0  }
0xa0: {  	[sflag:s22] =	ssyncadd.s32 s3;
	_ =	sdelay $0x1  }
0xa1: {  	s23 =	simm.s32 $0x1B8B  }
0xa2: {  	_ =	swait.ge [sflag:s23], $0x1  }
0xa3: {  	[sflag:s23] =	ssyncset.done $0x0  }
0xa4: {  	s25 =	simm.s32 $0x1B8E;
	s24 =	sld [smem:$0x3FFE];
	[sflag:s23] =	ssyncadd.s32 $0xFFFFFFFF  }
0xa5: {  	s26 =	simm.s32 $execute0_lowered;
	[smem:$0x3FD2] =	sst s25  }
0xa6: {  	s4 =	sshll.u32 s26, $0x1;
	_ =	strace $0x80000046;
	[dreg:$0x1] =	wrdreg $0xFFFFFFFF  }
0xa7: {  	s28 =	simm.s32 $_size_execute0_lowered;
	s2 =	sadd.s32 s2, s4;
	[dreg:$0x0] =	wrdreg $0x0  }
0xa8: {  	s4 =	sshll.u32 s28, $0x1;
	[dreg:$0x2] =	wrdreg s2  }
0xa9: {  	[dreg:$0x3] =	wrdreg s4  }
0xaa: {  	[dreg:$0x4] =	wrdreg $0xC0  }
0xab: {  	_ =	task [dreg:s6], $0x5FFFF  }
0xac: {  	[dreg:$0x1] =	wrdreg $0xFFFFFFFF  }
0xad: {  	[dreg:$0x0] =	wrdreg $0x60  }
0xae: {  	[dreg:$0x2] =	wrdreg s24  }
0xaf: {  	[dreg:$0x3] =	wrdreg $0x9  }
0xb0: {  	_ =	task.clear_ibuf [dreg:s6], $0x4FFFF;
	_ =	strace $0x90000046  }
0xb1: {  	s29 =	simm.s32 $0x9;
	_ =	strace $0x80000048  }
0xb2: {  	_ =	swait.ge [sflag:s29], $0x1  }
0xb3: {  	[sflag:s29] =	ssyncadd.s32 $0xFFFFFFFF  }
0xb4: {  	_ =	strace $0x90000048  }
0xb5: {  	_ =	sfence  }
0xb6: {  	s30 =	sld [smem:$0x0];
	_ =	sdelay $0x2  }
0xb7: {  	s31 =	sshll.u32 s1, $0xD;
	s1 =	sshrl.u32 s1, $0x2  }
0xb8: {  	s3 =	sand.u32 $0x4000, s31;
	s1 =	sadd.s32 s1, s30  }
0xb9: {  	s0 =	sor.u32 s3, s0;
	s1 =	sshll.u32 s1, $0x11  }
0xba: {  	s0 =	sor.u32 s1, s0  }
0xbb: {  	s0 =	sadd.s32 $0x8F2B, s0  }
0xbc: {  	[sflag:s0] =	ssyncadd.remote.s32 $0x1  }
0xbd: {  	_ =	sfence.sel $0xFFFF  }
0xbe: {  	[dreg:$0x0] =	wrdreg $0xFFFFFFFF;
	(pc) =	sbr.abs _section_cstart, $3  }
0xbf: {  	[dreg:$0x1] =	wrdreg $0xFFFFFFFF  }
0xc0: {  	_ =	task.clear_ibuf [dreg:s6], $0x2FFFF;
	_ =	strace $0x9FFFFFFF  }
0xc1: {  	(tm) =	ssettm $0x7FFFFFFF  }
tec
execute0_lowered:
.L_overlay_start_1:
0x0: {  	(tag) =	ssettag $0x1  }
0x1: {  	s0 =	rddreg [dreg:$0x0];
	s1 =	srdreg.scid  }
0x2: {  	s3 =	stileid.u32;
	s2 =	simm.s32 $0x0;
	s19 =	simm.s32 $0x1  }
0x3: {  	s20 =	simm.s32 $0x800;
	s30 =	simm.s32 $0x4100;
	s31 =	simm.s32 $0x4180  }
0x4: {  	s21 =	simm.s32 $0x0;
	s29 =	simm.s32 $0x0;
	s1 =	sand.u32 $0x1, s1  }
0x5: {  	s3 =	sshll.u32 s3, $0x7;
	[smem:$0x7FF] =	sst s2;
	s6 =	sadd.s32 $0x2000, s0  }
0x6: {  	s7 =	sadd.s32 $0x2100, s0;
	s8 =	sadd.s32 $0x2200, s0;
	s9 =	sadd.s32 $0x2300, s0  }
0x7: {  	s10 =	sadd.s32 $0x2400, s0;
	s11 =	sadd.s32 $0x2500, s0;
	s4 =	sshll.u32 s1, $0x6  }
0x8: {  	_ =	strace $0x80000047;
	s1 =	ssub.s32 $0x2, s1;
	s3 =	sor.u32 s4, s3  }
0x9: {  	s4 =	sadd.s32 $0x1E00, s0;
	s28 =	sshrl.u32 s1, $0x1;
	s5 =	sshrl.u32 s3, $0x3  }
0xa: {  	s1 =	ssub.s32 s1, s28;
	s17 =	sadd.s32 s5, s0;
	s5 =	sadd.s32 $0x1F00, s0  }
0xb: {  	s18 =	smax.u32 s1, $0x1;
	s0 =	simm.s32 $0x4200;
	s1 =	simm.s32 $0x4280  }
0xc: {  	s12 =	sadd.s32 $0x2600, s17;
	s13 =	sadd.s32 $0x2700, s17;
	s14 =	sadd.s32 $0x2800, s17  }
0xd: {  	v0 =	vlaneseq.u32;
	s15 =	sadd.s32 $0x2900, s17;
	s16 =	sadd.s32 $0x2A00, s17;
	s17 =	sadd.s32 $0x2B00, s17  }
.LBB2_1:
0xe: {  	[tilespmem:s2], [sflag:$0x1] =	stream.linear.gather [hbm4b:s4+s2], $0x800, $0x38;
	[tilespmem:$0x4300] =	vst v63  }
0xf: {  	_ =	swait.ge [sflag:s19], $0x800  }
0x10: {  	[sflag:s19] =	ssyncset.done $0x0  }
0x11: {  	[sflag:s19] =	ssyncadd.s32 $0xFFFFF800  }
0x12: {  	[tilespmem:s20], [sflag:$0x1] =	stream.linear.gather [hbm4b:s5+s2], $0x800, $0x38;
	[tilespmem:$0x4300] =	vst v63  }
0x13: {  	_ =	swait.ge [sflag:s19], $0x800  }
0x14: {  	[sflag:s19] =	ssyncset.done $0x0  }
0x15: {  	s22 =	simm.s32 $0x1000;
	[sflag:s19] =	ssyncadd.s32 $0xFFFFF800  }
0x16: {  	[tilespmem:s22], [sflag:$0x1] =	stream.linear.gather [hbm4b:s6+s2], $0x800, $0x38;
	[tilespmem:$0x4300] =	vst v63  }
0x17: {  	_ =	swait.ge [sflag:s19], $0x800  }
0x18: {  	[sflag:s19] =	ssyncset.done $0x0  }
0x19: {  	s23 =	simm.s32 $0x1800;
	[sflag:s19] =	ssyncadd.s32 $0xFFFFF800  }
0x1a: {  	[tilespmem:s23], [sflag:$0x1] =	stream.linear.gather [hbm4b:s7+s2], $0x800, $0x38;
	[tilespmem:$0x4300] =	vst v63  }
0x1b: {  	_ =	swait.ge [sflag:s19], $0x800  }
0x1c: {  	[sflag:s19] =	ssyncset.done $0x0  }
0x1d: {  	s24 =	simm.s32 $0x2000;
	[sflag:s19] =	ssyncadd.s32 $0xFFFFF800  }
0x1e: {  	[tilespmem:s24], [sflag:$0x1] =	stream.linear.gather [hbm4b:s8+s2], $0x800, $0x38;
	[tilespmem:$0x4300] =	vst v63  }
0x1f: {  	_ =	swait.ge [sflag:s19], $0x800  }
0x20: {  	[sflag:s19] =	ssyncset.done $0x0  }
0x21: {  	s25 =	simm.s32 $0x2800;
	[sflag:s19] =	ssyncadd.s32 $0xFFFFF800  }
0x22: {  	[tilespmem:s25], [sflag:$0x1] =	stream.linear.gather [hbm4b:s9+s2], $0x800, $0x38;
	[tilespmem:$0x4300] =	vst v63  }
0x23: {  	_ =	swait.ge [sflag:s19], $0x800  }
0x24: {  	[sflag:s19] =	ssyncset.done $0x0  }
0x25: {  	s26 =	simm.s32 $0x3000;
	[sflag:s19] =	ssyncadd.s32 $0xFFFFF800  }
0x26: {  	[tilespmem:s26], [sflag:$0x1] =	stream.linear.gather [hbm4b:s10+s2], $0x800, $0x38;
	[tilespmem:$0x4300] =	vst v63  }
0x27: {  	_ =	swait.ge [sflag:s19], $0x800  }
0x28: {  	[sflag:s19] =	ssyncset.done $0x0  }
0x29: {  	s28 =	simm.s32 $0x3800;
	[sflag:s19] =	ssyncadd.s32 $0xFFFFF800  }
0x2a: {  	[tilespmem:s28], [sflag:$0x1] =	stream.linear.gather [hbm4b:s11+s2], $0x800, $0x38;
	[tilespmem:$0x4300] =	vst v63  }
0x2b: {  	_ =	swait.ge [sflag:s19], $0x800  }
0x2c: {  	[sflag:s19] =	ssyncset.done $0x0  }
0x2d: {  	s22 =	simm.s32 $0x0;
	[sflag:s19] =	ssyncadd.s32 $0xFFFFF800  }
.LBB2_2:
0x2e: {  	s23 =	sshll.u32 s22, $0x4;
	v1 =	vimm.f32 $0.0e+00;
	v2 =	vimm.f32 $0.0e+00;
	v3 =	vimm.f32 $0.0e+00  }
0x2f: {  	s25 =	simm.s32 $0x0;
	v4 =	vimm.f32 $0.0e+00;
	v5 =	vimm.f32 $0.0e+00;
	v6 =	vimm.f32 $0.0e+00;
	s24 =	sadd.s32 s3, s23  }
.LBB2_3:
0x30: {  	s26 =	sadd.s32 s24, s25  }
0x31: {  	v7 =	vmov s26;
	_ =	sdelay $0x4  }
0x32: {  	v8 =	vld.idx.msk [tilespmem:v7+s20+$0x0], $0xffff  }
0x33: {  	v7 =	vld [tilespmem:s29+$0x0]  }
0x34: {  	v9 =	vld [tilespmem:s29+$0x3800]  }
0x35: {  	v18 =	vld [tilespmem:s29+$0x1000]  }
0x36: {  	v13 =	vld [tilespmem:s29+$0x1800]  }
0x37: {  	v14 =	vld [tilespmem:s29+$0x2000];
	v15 =	vimm.f32 $0.0e+00;
	v11 =	vimm.f32 $0.0e+00  }
0x38: {  	v16 =	vld [tilespmem:s29+$0x2800];
	v12 =	vimm.f32 $0.0e+00;
	v10 =	vimm.f32 $0.0e+00;
	vm0 =	vle.f32 v7, v8  }
0x39: {  	s28 =	simm.s32 $0x80;
	v19 =	vld [tilespmem:s29+$0x3000];
	s26 =	simm.s32 $0x10;
	v7 =	vimm.f32 $0.0e+00;
	v17 =	vnsel vm0, $0x0, v9;
	v9 =	vimm.f32 $0.0e+00  }
.LBB2_4:
0x3a: {  	p0 =	sne.s32 s28, $0x1FC0;
	v20 =	vld [tilespmem:s26+$0x0];
	v18 =	vnsel vm0, $0x0, v18;
	v7 =	vadd.f32 v17, v7  }
0x3b: {  	v17 =	vld [tilespmem:s26+$0x3800];
	v15 =	vadd.f32 v18, v15;
	v13 =	vnsel vm0, $0x0, v13  }
.Ltmp0:
0x3c: {  	v18 =	vld [tilespmem:s26+$0x1000];
	v11 =	vadd.f32 v13, v11;
	v14 =	vnsel vm0, $0x0, v14;
	(pc) =	sbr.rel @p0 .LBB2_4-.Ltmp0, $4  }
0x3d: {  	v13 =	vld [tilespmem:s26+$0x1800];
	v12 =	vadd.f32 v14, v12;
	v16 =	vnsel vm0, $0x0, v16  }
0x3e: {  	v14 =	vld [tilespmem:s26+$0x2000];
	v10 =	vadd.f32 v16, v10;
	v19 =	vnsel vm0, $0x0, v19  }
0x3f: {  	vm0 =	vle.f32 v20, v8;
	v16 =	vld [tilespmem:s26+$0x2800];
	v9 =	vadd.f32 v19, v9  }
0x40: {  	v19 =	vld [tilespmem:s26+$0x3000];
	s26 =	sshra.s32 s28, $0x2;
	s28 =	sadd.s32 $0x40, s28;
	v17 =	vnsel vm0, $0x0, v17  }
0x41: {  	v20 =	vld [tilespmem:s26+$0x0];
	_ =	sdelay $0x1  }
0x42: {  	v21 =	vld [tilespmem:s26+$0x1000]  }
0x43: {  	v22 =	vld [tilespmem:s26+$0x1800]  }
0x44: {  	v23 =	vld [tilespmem:s26+$0x2000]  }
0x45: {  	v18 =	vnsel vm0, $0x0, v18;
	v13 =	vnsel vm0, $0x0, v13;
	vm1 =	vle.f32 v20, v8;
	v8 =	vld [tilespmem:s26+$0x2800]  }
0x46: {  	v51 =	vld [tilespmem:s26+$0x3000];
	v15 =	vadd.f32 v18, v15;
	v14 =	vnsel vm0, $0x0, v14;
	v11 =	vadd.f32 v13, v11  }
0x47: {  	v52 =	vld [tilespmem:s26+$0x3800];
	v16 =	vnsel vm0, $0x0, v16;
	v12 =	vadd.f32 v14, v12;
	v20 =	vnsel vm1, $0x0, v21  }
0x48: {  	v19 =	vnsel vm0, $0x0, v19;
	v54 =	vnsel vm1, $0x0, v22;
	v53 =	vadd.f32 v20, v15  }
0x49: {  	v10 =	vadd.f32 v16, v10;
	v55 =	vnsel vm1, $0x0, v23;
	v11 =	vadd.f32 v54, v11  }
0x4a: {  	v9 =	vadd.f32 v19, v9;
	v12 =	vadd.f32 v55, v12;
	(xrf2) =	vadd.scan.msk.f32 $0xffff, v53;
	v8 =	vnsel vm1, $0x0, v8  }
0x4b: {  	v7 =	vadd.f32 v17, v7;
	v56 =	vnsel vm1, $0x0, v51;
	(xrf2) =	vadd.scan.msk.f32 $0xffff, v11;
	v8 =	vadd.f32 v8, v10  }
0x4c: {  	v57 =	vnsel vm1, $0x0, v52;
	v9 =	vadd.f32 v56, v9;
	(xrf2) =	vadd.scan.msk.f32 $0xffff, v12  }
0x4d: {  	v7 =	vadd.f32 v57, v7;
	(xrf2) =	vadd.scan.msk.f32 $0xffff, v8  }
0x4e: {  	(xrf2) =	vadd.scan.msk.f32 $0xffff, v9  }
0x4f: {  	(xrf2) =	vadd.scan.msk.f32 $0xffff, v7;
	_ =	sdelay $0x4  }
0x50: {  	v7, _, _ =	vpop (xrf2)  }
0x51: {  	v8, _, _ =	vpop (xrf2)  }
0x52: {  	v61 =	vmov s25;
	s25 =	sadd.s32 $0x1, s25;
	v58, _, _ =	vpop (xrf2)  }
0x53: {  	p0 =	sne.s32 s25, $0x10;
	v59, _, _ =	vpop (xrf2)  }
.Ltmp1:
0x54: {  	v7 =	vbroadcast v7, $0xF;
	v8 =	vbroadcast v8, $0xF;
	v60, _, _ =	vpop (xrf2);
	(pc) =	sbr.rel @p0 .LBB2_3-.Ltmp1, $4  }
0x55: {  	v9 =	vbroadcast v58, $0xF;
	v10 =	vbroadcast v59, $0xF;
	v62, _, _ =	vpop (xrf2)  }
0x56: {  	vm15 =	veq.s32 v61, v0;
	v11 =	vbroadcast v60, $0xF;
	v63 =	vbroadcast v62, $0xF  }
0x57: {  	v6 =	vsel vm15, v7, v6;
	v5 =	vsel vm15, v8, v5;
	v4 =	vsel vm15, v9, v4  }
0x58: {  	v3 =	vsel vm15, v10, v3;
	v2 =	vsel vm15, v11, v2;
	v1 =	vsel vm15, v63, v1  }
0x59: {  	s22 =	sadd.s32 $0x1, s22  }
0x5a: {  	[tilespmem:s23+$0x4000] =	vst v6;
	p0 =	sne.s32 s22, $0x4  }
.Ltmp2:
0x5b: {  	[tilespmem:s23+$0x4080] =	vst v5;
	(pc) =	sbr.rel @p0 .LBB2_2-.Ltmp2, $4  }
0x5c: {  	[tilespmem:s23+$0x4100] =	vst v4  }
0x5d: {  	[tilespmem:s23+$0x4180] =	vst v3  }
0x5e: {  	[tilespmem:s23+$0x4200] =	vst v2  }
0x5f: {  	[tilespmem:s23+$0x4280] =	vst v1  }
0x60: {  	s22 =	simm.s32 $0x4000  }
0x61: {  	[hbm4b:s12+s2] =	stream.linear.scatter [tilespmem:s22], [sflag:$0x1], $0x40, $0x38;
	[tilespmem:$0x4300] =	vst v63  }
0x62: {  	_ =	swait.ge [sflag:s19], $0x40  }
0x63: {  	[sflag:s19] =	ssyncset.done $0x0  }
0x64: {  	s28 =	simm.s32 $0x4080;
	[sflag:s19] =	ssyncadd.s32 $0xFFFFFFC0  }
0x65: {  	[hbm4b:s13+s2] =	stream.linear.scatter [tilespmem:s28], [sflag:$0x1], $0x40, $0x38;
	[tilespmem:$0x4300] =	vst v63  }
0x66: {  	_ =	swait.ge [sflag:s19], $0x40  }
0x67: {  	[sflag:s19] =	ssyncset.done $0x0  }
0x68: {  	[sflag:s19] =	ssyncadd.s32 $0xFFFFFFC0  }
0x69: {  	[hbm4b:s14+s2] =	stream.linear.scatter [tilespmem:s30], [sflag:$0x1], $0x40, $0x38;
	[tilespmem:$0x4300] =	vst v63  }
0x6a: {  	_ =	swait.ge [sflag:s19], $0x40  }
0x6b: {  	[sflag:s19] =	ssyncset.done $0x0  }
0x6c: {  	[sflag:s19] =	ssyncadd.s32 $0xFFFFFFC0  }
0x6d: {  	[hbm4b:s15+s2] =	stream.linear.scatter [tilespmem:s31], [sflag:$0x1], $0x40, $0x38;
	[tilespmem:$0x4300] =	vst v63  }
0x6e: {  	_ =	swait.ge [sflag:s19], $0x40  }
0x6f: {  	[sflag:s19] =	ssyncset.done $0x0  }
0x70: {  	[sflag:s19] =	ssyncadd.s32 $0xFFFFFFC0  }
0x71: {  	[hbm4b:s16+s2] =	stream.linear.scatter [tilespmem:s0], [sflag:$0x1], $0x40, $0x38;
	[tilespmem:$0x4300] =	vst v63  }
0x72: {  	s21 =	sadd.s32 $0x1, s21;
	_ =	swait.ge [sflag:s19], $0x40  }
0x73: {  	p0 =	sne.s32 s21, s18;
	[sflag:s19] =	ssyncset.done $0x0  }
.Ltmp3:
0x74: {  	[sflag:s19] =	ssyncadd.s32 $0xFFFFFFC0;
	(pc) =	sbr.rel @p0 .LBB2_1-.Ltmp3, $4  }
0x75: {  	[hbm4b:s17+s2] =	stream.linear.scatter [tilespmem:s1], [sflag:$0x1], $0x40, $0x38;
	[tilespmem:$0x4300] =	vst v63  }
0x76: {  	_ =	swait.ge [sflag:s19], $0x40  }
0x77: {  	[sflag:s19] =	ssyncset.done $0x0  }
0x78: {  	[sflag:s19] =	ssyncadd.s32 $0xFFFFFFC0  }
0x79: {  	_ =	sfence.sel $0x180000  }
0x7a: {  	[bflag:$0x0] =	sbarrier.arrive $0xFFFF  }
0x7b: {  	_ =	strace $0x90000047  }
0x7c: {  	s0 =	stileid.u32;
	[bflag:$0x2] =	sbarrier.arrive $0xFFFF  }
0x7d: {  	p0 =	sne.s32 s0, $0x0;
	s0 =	rddreg [dreg:$0x1]  }
0x7e: {  	s0 =	sadd.s32 @!p0 $0x100000, s0  }
0x7f: {  	[sflag:s0] =	ssyncadd.tile.s32 @!p0 $0x1;
	_ =	shalt  }
.Lfunc_end2:
_tile_overlayer_lowered:
.L_overlay_start_2:
0x80: {  	(tag) =	ssettag $0x2  }
0x81: {  	s0 =	rddreg [dreg:$0x0];
	s2 =	stileid.u32  }
0x82: {  	s1 =	rddreg [dreg:$0x1];
	p0 =	sne.s32 s2, $0x0  }
0x83: {  	s3 =	rddreg [dreg:$0x2];
	[bflag:$0x3] =	sbarrier.arrive $0xFFFF;
	s2 =	simm.s32 @!p0 $0x1C01  }
0x84: {  	[timem:s3], [sflag:s2] =	dma.local @!p0 [hbm:s0], s1  }
0x85: {  	s0 =	simm.s32 @!p0 $0x1  }
0x86: {  	_ =	swait.ge @!p0 [sflag:s0], s1  }
0x87: {  	s1 =	ssub.s32 @!p0 $0x0, s1;
	[sflag:s0] =	ssyncset.done @!p0 $0x0  }
0x88: {  	[sflag:s0] =	ssyncadd.s32 @!p0 s1  }
0x89: {  	[bflag:$0x3] =	sbarrier.arrive $0xFFFF  }
0x8a: {  	_ =	shalt  }

</sc_bundles>
